<compile_context>
chip_gen: v7x
topology: tpu7x:2x2x1
jax: 0.10.2.dev20260603
libtpu: 0.0.44.dev20260713+nightly
codegen_flags: <defaults>
</compile_context>

<pallas_src>
import jax
import jax.numpy as jnp
from jax import lax
from jax.experimental import pallas as pl
from jax.experimental.pallas import tpu as pltpu
from jax.experimental.pallas import tpu_sc as plsc

B, T, D = 2, 2048, 1024
E, TOPK, H = 8, 2, 512
SH = H * TOPK
N = B * T
M = N * TOPK
TM2 = 256
BUF = M + E * TM2
NTILES = BUF // TM2
NW = 32
RPW = N // NW
TMS = 1024
DP = D // 2


def _cumsum_rows(a):
    rows = lax.broadcasted_iota(jnp.int32, a.shape, 0)
    k = 1
    while k < a.shape[0]:
        shifted = pltpu.roll(a, k, axis=0)
        a = a + jnp.where(rows >= k, shifted, jnp.zeros_like(a))
        k *= 2
    return a


def _pack_bf16(v):
    u = lax.bitcast_convert_type(v, jnp.uint32)
    half = v.shape[1] // 2
    rnd = lambda b: (b + jnp.uint32(0x7FFF) + ((b >> 16) & 1)) >> 16
    lo = rnd(u[:, :half]) & jnp.uint32(0xFFFF)
    hi = rnd(u[:, half:])
    return lax.bitcast_convert_type(lo | (hi << 16), jnp.int32)


def _unpack_bf16(p):
    u = lax.bitcast_convert_type(p, jnp.uint32)
    lo = lax.bitcast_convert_type((u & jnp.uint32(0xFFFF)) << 16, jnp.float32)
    hi = lax.bitcast_convert_type(u & jnp.uint32(0xFFFF0000), jnp.float32)
    return jnp.concatenate([lo, hi], axis=1)


def _router_body(x_ref, rw_ref, rb_ref, pos_ref, w_ref, off_ref, xpk_ref):
    x = x_ref[...]
    xpk_ref[...] = _pack_bf16(x)
    logits = jnp.dot(x, rw_ref[...].T, preferred_element_type=jnp.float32)
    logits = logits + rb_ref[...]
    scores = jax.nn.softmax(logits, axis=-1)
    s1 = jnp.max(scores, axis=-1, keepdims=True)
    i1 = jnp.argmax(scores, axis=-1).reshape(N, 1)
    cols = lax.broadcasted_iota(jnp.int32, (N, E), 1)
    masked = jnp.where(cols == i1, -jnp.inf, scores)
    s2 = jnp.max(masked, axis=-1, keepdims=True)
    i2 = jnp.argmax(masked, axis=-1).reshape(N, 1)
    denom = s1 + s2
    w1 = s1 / denom
    w2 = s2 / denom

    oh1 = (cols == i1).astype(jnp.int32)
    oh2 = (cols == i2).astype(jnp.int32)
    packed = _cumsum_rows(oh1 + (oh2 << 13))
    cs1 = packed & 8191
    cs2 = packed >> 13
    cnt1 = cs1[N - 1:N, :]
    counts = cnt1 + cs2[N - 1:N, :]
    padded = (counts + (TM2 - 1)) & (-TM2)
    padded_f = padded.astype(jnp.float32)
    r8 = lax.broadcasted_iota(jnp.int32, (E, E), 0)
    c8 = lax.broadcasted_iota(jnp.int32, (E, E), 1)
    tril = (r8 < c8).astype(jnp.float32)
    offf = jnp.dot(padded_f, tril, preferred_element_type=jnp.float32)
    off = offf.astype(jnp.int32)

    rk1 = jnp.sum(oh1 * cs1, axis=1, keepdims=True) - 1
    rk2 = jnp.sum(oh2 * (cs2 + cnt1), axis=1, keepdims=True) - 1
    base1 = jnp.sum(oh1 * off, axis=1, keepdims=True)
    base2 = jnp.sum(oh2 * off, axis=1, keepdims=True)
    pos1 = base1 + rk1
    pos2 = base2 + rk2

    c128 = lax.broadcasted_iota(jnp.int32, (N, 128), 1)
    pos_ref[...] = jnp.where(c128 == 0, pos1, jnp.where(c128 == 1, pos2, 0))
    w_ref[...] = jnp.where(c128 == 0, w1, jnp.where(c128 == 1, w2, 0.0))
    spread = (lax.broadcasted_iota(jnp.int32, (E, 128), 0)
              == lax.broadcasted_iota(jnp.int32, (E, 128), 1)).astype(jnp.float32)
    off_ref[...] = jnp.dot(offf, spread,
                           preferred_element_type=jnp.float32).astype(jnp.int32)


def _router_meta(flat, router_w, rb):
    return pl.pallas_call(
        _router_body,
        out_shape=[
            jax.ShapeDtypeStruct((N, 128), jnp.int32),
            jax.ShapeDtypeStruct((N, 128), jnp.float32),
            jax.ShapeDtypeStruct((1, 128), jnp.int32),
            jax.ShapeDtypeStruct((N, DP), jnp.int32),
        ],
    )(flat, router_w, rb)


def _shared_body(x_ref, sg_ref, su_ref, sd_ref, out_ref):
    x = x_ref[...]
    g = jnp.dot(x, sg_ref[...].T, preferred_element_type=jnp.float32)
    u = jnp.dot(x, su_ref[...].T, preferred_element_type=jnp.float32)
    h = (g * jax.nn.sigmoid(g)) * u
    out_ref[...] = jnp.dot(h, sd_ref[...].T, preferred_element_type=jnp.float32)


def _shared_ffn(flat, sg_w, su_w, sd_w):
    return pl.pallas_call(
        _shared_body,
        grid=(N // TMS,),
        in_specs=[
            pl.BlockSpec((TMS, D), lambda t: (t, 0)),
            pl.BlockSpec((SH, D), lambda t: (0, 0)),
            pl.BlockSpec((SH, D), lambda t: (0, 0)),
            pl.BlockSpec((D, SH), lambda t: (0, 0)),
        ],
        out_specs=pl.BlockSpec((TMS, D), lambda t: (t, 0)),
        out_shape=jax.ShapeDtypeStruct((N, D), jnp.float32),
        compiler_params=pltpu.CompilerParams(
            dimension_semantics=("parallel",)),
    )(flat, sg_w, su_w, sd_w)


def _dispatch_body(xpk_hbm, posq_hbm, gx_hbm, rows_v, idx0_v, idx1_v, sem):
    cid = lax.axis_index("c")
    sid = lax.axis_index("s")
    wid = sid * 2 + cid
    for c in range(2):
        base = wid * RPW + c * 64
        pltpu.sync_copy(xpk_hbm.at[pl.ds(base, 64)], rows_v)
        pltpu.sync_copy(posq_hbm.at[wid, c, 0], idx0_v)
        pltpu.sync_copy(posq_hbm.at[wid, c, 1], idx1_v)
        d0 = pltpu.async_copy(rows_v, gx_hbm.at[idx0_v], sem)
        d1 = pltpu.async_copy(rows_v, gx_hbm.at[idx1_v], sem)
        d0.wait()
        d1.wait()


def _dispatch(xpk, posq):
    mesh = plsc.VectorSubcoreMesh(core_axis_name="c", subcore_axis_name="s")
    return pl.kernel(
        _dispatch_body,
        out_type=jax.ShapeDtypeStruct((BUF, DP), jnp.int32),
        mesh=mesh,
        scratch_types=[
            pltpu.VMEM((64, DP), jnp.int32),
            pltpu.VMEM((64,), jnp.int32),
            pltpu.VMEM((64,), jnp.int32),
            pltpu.SemaphoreType.DMA,
        ],
    )(xpk, posq)


def _group_gemm_body(te_ref, gx_ref, gw_ref, uw_ref, dw_ref, y_ref):
    tev = te_ref[pl.program_id(0)]
    xg = _unpack_bf16(gx_ref[...])
    g = jnp.dot(xg, gw_ref[tev].T, preferred_element_type=jnp.float32)
    u = jnp.dot(xg, uw_ref[tev].T, preferred_element_type=jnp.float32)
    h = (g * jax.nn.sigmoid(g)) * u
    p = jnp.dot(h, dw_ref[tev].T, preferred_element_type=jnp.float32)
    y_ref[...] = _pack_bf16(p)


def _group_gemm(te, gx, gate_w, up_w, down_w):
    grid_spec = pltpu.PrefetchScalarGridSpec(
        num_scalar_prefetch=1,
        grid=(NTILES,),
        in_specs=[
            pl.BlockSpec((TM2, DP), lambda i, te: (i, 0)),
            pl.BlockSpec((E, H, D), lambda i, te: (0, 0, 0)),
            pl.BlockSpec((E, H, D), lambda i, te: (0, 0, 0)),
            pl.BlockSpec((E, D, H), lambda i, te: (0, 0, 0)),
        ],
        out_specs=pl.BlockSpec((TM2, DP), lambda i, te: (i, 0)),
    )
    return pl.pallas_call(
        _group_gemm_body,
        grid_spec=grid_spec,
        out_shape=jax.ShapeDtypeStruct((BUF, DP), jnp.int32),
        compiler_params=pltpu.CompilerParams(
            dimension_semantics=("arbitrary",),
            vmem_limit_bytes=112 * 1024 * 1024),
    )(te, gx, gate_w, up_w, down_w)


def _gather_body(y_hbm, posg_hbm, y1g_hbm, y2g_hbm,
                 buf0, buf1, buf2, idx00, idx01, idx10, idx11,
                 sem0, sem1, sem2, sem3):
    cid = lax.axis_index("c")
    sid = lax.axis_index("s")
    wid = sid * 2 + cid
    base = wid * RPW
    pltpu.sync_copy(posg_hbm.at[wid, 0, 0], idx00)
    pltpu.sync_copy(posg_hbm.at[wid, 0, 1], idx01)
    pltpu.sync_copy(posg_hbm.at[wid, 1, 0], idx10)
    pltpu.sync_copy(posg_hbm.at[wid, 1, 1], idx11)
    d0 = pltpu.async_copy(y_hbm.at[idx00], buf0, sem0)
    d1 = pltpu.async_copy(y_hbm.at[idx01], buf1, sem1)
    d2 = pltpu.async_copy(y_hbm.at[idx10], buf2, sem2)
    d0.wait()
    pltpu.sync_copy(buf0, y1g_hbm.at[pl.ds(base, 64)])
    d3 = pltpu.async_copy(y_hbm.at[idx11], buf0, sem3)
    d1.wait()
    pltpu.sync_copy(buf1, y2g_hbm.at[pl.ds(base, 64)])
    d2.wait()
    pltpu.sync_copy(buf2, y1g_hbm.at[pl.ds(base + 64, 64)])
    d3.wait()
    pltpu.sync_copy(buf0, y2g_hbm.at[pl.ds(base + 64, 64)])


def _gather(y, posg):
    mesh = plsc.VectorSubcoreMesh(core_axis_name="c", subcore_axis_name="s")
    return pl.kernel(
        _gather_body,
        out_type=[
            jax.ShapeDtypeStruct((N, DP), jnp.int32),
            jax.ShapeDtypeStruct((N, DP), jnp.int32),
        ],
        mesh=mesh,
        scratch_types=[
            pltpu.VMEM((64, DP), jnp.int32),
            pltpu.VMEM((64, DP), jnp.int32),
            pltpu.VMEM((64, DP), jnp.int32),
            pltpu.VMEM((64,), jnp.int32),
            pltpu.VMEM((64,), jnp.int32),
            pltpu.VMEM((64,), jnp.int32),
            pltpu.VMEM((64,), jnp.int32),
            pltpu.SemaphoreType.DMA,
            pltpu.SemaphoreType.DMA,
            pltpu.SemaphoreType.DMA,
            pltpu.SemaphoreType.DMA,
        ],
    )(y, posg)


def _combine_body(sh_ref, y1_ref, y2_ref, w_ref, out_ref):
    w1 = w_ref[:, 0:1]
    w2 = w_ref[:, 1:2]
    y1 = _unpack_bf16(y1_ref[...])
    y2 = _unpack_bf16(y2_ref[...])
    out_ref[...] = sh_ref[...] + w1 * y1 + w2 * y2


def _combine(shared, y1g, y2g, w_out):
    return pl.pallas_call(
        _combine_body,
        grid=(N // TMS,),
        in_specs=[
            pl.BlockSpec((TMS, D), lambda t: (t, 0)),
            pl.BlockSpec((TMS, DP), lambda t: (t, 0)),
            pl.BlockSpec((TMS, DP), lambda t: (t, 0)),
            pl.BlockSpec((TMS, 128), lambda t: (t, 0)),
        ],
        out_specs=pl.BlockSpec((TMS, D), lambda t: (t, 0)),
        out_shape=jax.ShapeDtypeStruct((N, D), jnp.float32),
        compiler_params=pltpu.CompilerParams(
            dimension_semantics=("parallel",)),
    )(shared, y1g, y2g, w_out)


@jax.jit
def kernel(x, router_w, router_bias, gate_w, up_w, down_w, sg_w, su_w, sd_w):
    flat = x.reshape(N, D)
    rb = router_bias.reshape(1, E)

    pos_out, w_out, off_out, xpk = _router_meta(flat, router_w, rb)

    pos_kn = pos_out[:, :TOPK].T
    posq = pos_kn.reshape(TOPK, NW, 2, 64).transpose(1, 2, 0, 3)
    off = off_out[0, :E]
    tile_start = jnp.arange(NTILES, dtype=jnp.int32) * TM2
    te = jnp.sum((off[None, :] <= tile_start[:, None]).astype(jnp.int32),
                 axis=1) - 1

    gx = _dispatch(xpk, posq)
    shared = _shared_ffn(flat, sg_w, su_w, sd_w)
    y = _group_gemm(te, gx, gate_w, up_w, down_w)
    y1g, y2g = _gather(y, posq)
    out = _combine(shared, y1g, y2g, w_out)
    return out.reshape(B, T, D)

# --- scband reference (transcript-rebuilt; emitter-appended) ---
"""Pipeline reference for scband-routed-shared-mo-effn-62964220559756 (READ-ONLY COPY).

The authoritative reference and input builder live on the scoring server;
editing this copy changes nothing except your own understanding.
"""

import jax, jax.numpy as jnp
import numpy as np

B, T, D = 2, 2048, 1024
E, TOPK, H = 8, 2, 512
SH = H * TOPK  # shared expert hidden dim


def setup_inputs(seed: int = 0) -> dict:
    key = jax.random.key(seed)
    ks = jax.random.split(key, 10)
    s = 1.0 / np.sqrt(D)
    sh = 1.0 / np.sqrt(H)
    ssh = 1.0 / np.sqrt(SH)
    return {
        "x": jax.random.normal(ks[0], (B, T, D), dtype=jnp.float32),
        "router_w": jax.random.normal(ks[1], (E, D), dtype=jnp.float32) * s,
        "router_bias": jnp.zeros((E,), dtype=jnp.float32),
        "gate_w": jax.random.normal(ks[2], (E, H, D), dtype=jnp.float32) * s,
        "up_w": jax.random.normal(ks[3], (E, H, D), dtype=jnp.float32) * s,
        "down_w": jax.random.normal(ks[4], (E, D, H), dtype=jnp.float32) * sh,
        "sg_w": jax.random.normal(ks[5], (SH, D), dtype=jnp.float32) * s,
        "su_w": jax.random.normal(ks[6], (SH, D), dtype=jnp.float32) * s,
        "sd_w": jax.random.normal(ks[7], (D, SH), dtype=jnp.float32) * ssh,
    }


def reference(x, router_w, router_bias, gate_w, up_w, down_w, sg_w, su_w, sd_w):
    Bx, Tx, Dx = x.shape
    flat = x.reshape(Bx * Tx, Dx)
    # router
    logits = (flat @ router_w.T).astype(jnp.float32) + router_bias
    scores = jax.nn.softmax(logits, axis=-1)
    topk_scores, topk_idx = jax.lax.top_k(scores, TOPK)
    topk_scores = topk_scores / jnp.clip(jnp.sum(topk_scores, axis=-1, keepdims=True), 1e-12, None)
    # compute ALL routed experts (matches torch.stack over experts)
    g = jnp.einsum('nd,ehd->neh', flat, gate_w)
    u = jnp.einsum('nd,ehd->neh', flat, up_w)
    expert_outputs = jnp.einsum('neh,edh->ned', jax.nn.silu(g) * u, down_w)  # [N, E, D]
    # gather top-k expert outputs per token
    out = jnp.take_along_axis(expert_outputs, topk_idx[:, :, None], axis=1)  # [N, TOPK, D]
    out = out * topk_scores.astype(flat.dtype)[:, :, None]
    out = jnp.sum(out, axis=1)  # [N, D]
    # shared expert (always on)
    shared = (jax.nn.silu(flat @ sg_w.T) * (flat @ su_w.T)) @ sd_w.T
    out = out + shared
    return out.reshape(Bx, Tx, Dx)

if __name__ == "__main__":
    import jax
    _d = setup_inputs()
    print(jax.jit(kernel)(*tuple(_d.values())))

</pallas_src>

<mosaic_0001>
#map = affine_map<(d0, d1) -> (0, 0)>
#map1 = affine_map<(d0, d1) -> (0, 0, 0, 0)>
module attributes {stable_mosaic.version = 14 : i64} {
  func.func @_gather_body(%arg0: i32, %arg1: i32, %arg2: memref<10240x512xi32, #tpu.memory_space<hbm>>, %arg3: memref<32x2x2x64xi32, #tpu.memory_space<hbm>>, %arg4: memref<4096x512xi32, #tpu.memory_space<hbm>>, %arg5: memref<4096x512xi32, #tpu.memory_space<hbm>>, %arg6: memref<64x512xi32, #tpu.memory_space<vmem>>, %arg7: memref<64x512xi32, #tpu.memory_space<vmem>>, %arg8: memref<64x512xi32, #tpu.memory_space<vmem>>, %arg9: memref<64xi32, #tpu.memory_space<vmem>>, %arg10: memref<64xi32, #tpu.memory_space<vmem>>, %arg11: memref<64xi32, #tpu.memory_space<vmem>>, %arg12: memref<64xi32, #tpu.memory_space<vmem>>, %arg13: memref<!tpu.dma_semaphore, #tpu.memory_space<semaphore_mem>>, %arg14: memref<!tpu.dma_semaphore, #tpu.memory_space<semaphore_mem>>, %arg15: memref<!tpu.dma_semaphore, #tpu.memory_space<semaphore_mem>>, %arg16: memref<!tpu.dma_semaphore, #tpu.memory_space<semaphore_mem>>) attributes {dimension_semantics = [#tpu.dimension_semantics<core_parallel>, #tpu.dimension_semantics<subcore_parallel>], iteration_bounds = array<i64: 2, 16>, scalar_prefetch = 0 : i64, scratch_operands = 11 : i64, tpu.core_type = #tpu.core_type<sc_vector_subcore>, window_params = [{transform_indices = #map}, {transform_indices = #map1}, {transform_indices = #map}, {transform_indices = #map}]} {
    %mul3A = arith.constant 2 : i32
    %mul3A_0 = arith.muli %arg1, %mul3A : i32
    %add3A = arith.addi %mul3A_0, %arg0 : i32
    %mul3A_1 = arith.constant 128 : i32
    %mul3A_2 = arith.muli %add3A, %mul3A_1 : i32
    %run_scoped3A = arith.constant 0 : i32
    %run_scoped3A_3 = arith.constant 0 : i32
    "tpu.region"() ({
      %run_scoped3A_36 = tpu.sem_alloc : memref<!tpu.dma_semaphore, #tpu.memory_space<semaphore_mem>>
      %dma_start3A_37 = arith.constant 0 : i32
      %dma_start3A_38 = tpu.memref_slice %arg3[%add3A, %run_scoped3A, %run_scoped3A_3, %dma_start3A_37] : memref<32x2x2x64xi32, #tpu.memory_space<hbm>> -> memref<1x1x1x64xi32, #tpu.memory_space<hbm>>
      %dma_start3A_39 = tpu.memref_squeeze %dma_start3A_38 : memref<1x1x1x64xi32, #tpu.memory_space<hbm>> -> memref<64xi32, #tpu.memory_space<hbm>>
      %dma_start3A_40 = arith.constant 0 : i32
      %dma_start3A_41 = tpu.memref_slice %arg3[%add3A, %run_scoped3A, %run_scoped3A_3, %dma_start3A_40] : memref<32x2x2x64xi32, #tpu.memory_space<hbm>> -> memref<1x1x1x64xi32, #tpu.memory_space<hbm>>
      %dma_start3A_42 = tpu.memref_squeeze %dma_start3A_41 : memref<1x1x1x64xi32, #tpu.memory_space<hbm>> -> memref<64xi32, #tpu.memory_space<hbm>>
      tpu.enqueue_dma source(%dma_start3A_42 : memref<64xi32, #tpu.memory_space<hbm>>) target(%arg9 : memref<64xi32, #tpu.memory_space<vmem>>) target_semaphore(%run_scoped3A_36 : memref<!tpu.dma_semaphore, #tpu.memory_space<semaphore_mem>>)
      %dma_wait3A_43 = arith.constant 0 : i32
      %dma_wait3A_44 = tpu.memref_slice %arg3[%add3A, %run_scoped3A, %run_scoped3A_3, %dma_wait3A_43] : memref<32x2x2x64xi32, #tpu.memory_space<hbm>> -> memref<1x1x1x64xi32, #tpu.memory_space<hbm>>
      %dma_wait3A_45 = tpu.memref_squeeze %dma_wait3A_44 : memref<1x1x1x64xi32, #tpu.memory_space<hbm>> -> memref<64xi32, #tpu.memory_space<hbm>>
      %dma_wait3A_46 = arith.constant 0 : i32
      %dma_wait3A_47 = tpu.memref_slice %arg3[%add3A, %run_scoped3A, %run_scoped3A_3, %dma_wait3A_46] : memref<32x2x2x64xi32, #tpu.memory_space<hbm>> -> memref<1x1x1x64xi32, #tpu.memory_space<hbm>>
      %dma_wait3A_48 = tpu.memref_squeeze %dma_wait3A_47 : memref<1x1x1x64xi32, #tpu.memory_space<hbm>> -> memref<64xi32, #tpu.memory_space<hbm>>
      tpu.wait_dma2 semaphore(%run_scoped3A_36 : memref<!tpu.dma_semaphore, #tpu.memory_space<semaphore_mem>>) src(%dma_wait3A_48 : memref<64xi32, #tpu.memory_space<hbm>>) dst(%arg9 : memref<64xi32, #tpu.memory_space<vmem>>)
      tpu.yield
    }) : () -> ()
    %run_scoped3A_4 = arith.constant 0 : i32
    %run_scoped3A_5 = arith.constant 1 : i32
    "tpu.region"() ({
      %run_scoped3A_36 = tpu.sem_alloc : memref<!tpu.dma_semaphore, #tpu.memory_space<semaphore_mem>>
      %dma_start3A_37 = arith.constant 0 : i32
      %dma_start3A_38 = tpu.memref_slice %arg3[%add3A, %run_scoped3A_4, %run_scoped3A_5, %dma_start3A_37] : memref<32x2x2x64xi32, #tpu.memory_space<hbm>> -> memref<1x1x1x64xi32, #tpu.memory_space<hbm>>
      %dma_start3A_39 = tpu.memref_squeeze %dma_start3A_38 : memref<1x1x1x64xi32, #tpu.memory_space<hbm>> -> memref<64xi32, #tpu.memory_space<hbm>>
      %dma_start3A_40 = arith.constant 0 : i32
      %dma_start3A_41 = tpu.memref_slice %arg3[%add3A, %run_scoped3A_4, %run_scoped3A_5, %dma_start3A_40] : memref<32x2x2x64xi32, #tpu.memory_space<hbm>> -> memref<1x1x1x64xi32, #tpu.memory_space<hbm>>
      %dma_start3A_42 = tpu.memref_squeeze %dma_start3A_41 : memref<1x1x1x64xi32, #tpu.memory_space<hbm>> -> memref<64xi32, #tpu.memory_space<hbm>>
      tpu.enqueue_dma source(%dma_start3A_42 : memref<64xi32, #tpu.memory_space<hbm>>) target(%arg10 : memref<64xi32, #tpu.memory_space<vmem>>) target_semaphore(%run_scoped3A_36 : memref<!tpu.dma_semaphore, #tpu.memory_space<semaphore_mem>>)
      %dma_wait3A_43 = arith.constant 0 : i32
      %dma_wait3A_44 = tpu.memref_slice %arg3[%add3A, %run_scoped3A_4, %run_scoped3A_5, %dma_wait3A_43] : memref<32x2x2x64xi32, #tpu.memory_space<hbm>> -> memref<1x1x1x64xi32, #tpu.memory_space<hbm>>
      %dma_wait3A_45 = tpu.memref_squeeze %dma_wait3A_44 : memref<1x1x1x64xi32, #tpu.memory_space<hbm>> -> memref<64xi32, #tpu.memory_space<hbm>>
      %dma_wait3A_46 = arith.constant 0 : i32
      %dma_wait3A_47 = tpu.memref_slice %arg3[%add3A, %run_scoped3A_4, %run_scoped3A_5, %dma_wait3A_46] : memref<32x2x2x64xi32, #tpu.memory_space<hbm>> -> memref<1x1x1x64xi32, #tpu.memory_space<hbm>>
      %dma_wait3A_48 = tpu.memref_squeeze %dma_wait3A_47 : memref<1x1x1x64xi32, #tpu.memory_space<hbm>> -> memref<64xi32, #tpu.memory_space<hbm>>
      tpu.wait_dma2 semaphore(%run_scoped3A_36 : memref<!tpu.dma_semaphore, #tpu.memory_space<semaphore_mem>>) src(%dma_wait3A_48 : memref<64xi32, #tpu.memory_space<hbm>>) dst(%arg10 : memref<64xi32, #tpu.memory_space<vmem>>)
      tpu.yield
    }) : () -> ()
    %run_scoped3A_6 = arith.constant 1 : i32
    %run_scoped3A_7 = arith.constant 0 : i32
    "tpu.region"() ({
      %run_scoped3A_36 = tpu.sem_alloc : memref<!tpu.dma_semaphore, #tpu.memory_space<semaphore_mem>>
      %dma_start3A_37 = arith.constant 0 : i32
      %dma_start3A_38 = tpu.memref_slice %arg3[%add3A, %run_scoped3A_6, %run_scoped3A_7, %dma_start3A_37] : memref<32x2x2x64xi32, #tpu.memory_space<hbm>> -> memref<1x1x1x64xi32, #tpu.memory_space<hbm>>
      %dma_start3A_39 = tpu.memref_squeeze %dma_start3A_38 : memref<1x1x1x64xi32, #tpu.memory_space<hbm>> -> memref<64xi32, #tpu.memory_space<hbm>>
      %dma_start3A_40 = arith.constant 0 : i32
      %dma_start3A_41 = tpu.memref_slice %arg3[%add3A, %run_scoped3A_6, %run_scoped3A_7, %dma_start3A_40] : memref<32x2x2x64xi32, #tpu.memory_space<hbm>> -> memref<1x1x1x64xi32, #tpu.memory_space<hbm>>
      %dma_start3A_42 = tpu.memref_squeeze %dma_start3A_41 : memref<1x1x1x64xi32, #tpu.memory_space<hbm>> -> memref<64xi32, #tpu.memory_space<hbm>>
      tpu.enqueue_dma source(%dma_start3A_42 : memref<64xi32, #tpu.memory_space<hbm>>) target(%arg11 : memref<64xi32, #tpu.memory_space<vmem>>) target_semaphore(%run_scoped3A_36 : memref<!tpu.dma_semaphore, #tpu.memory_space<semaphore_mem>>)
      %dma_wait3A_43 = arith.constant 0 : i32
      %dma_wait3A_44 = tpu.memref_slice %arg3[%add3A, %run_scoped3A_6, %run_scoped3A_7, %dma_wait3A_43] : memref<32x2x2x64xi32, #tpu.memory_space<hbm>> -> memref<1x1x1x64xi32, #tpu.memory_space<hbm>>
      %dma_wait3A_45 = tpu.memref_squeeze %dma_wait3A_44 : memref<1x1x1x64xi32, #tpu.memory_space<hbm>> -> memref<64xi32, #tpu.memory_space<hbm>>
      %dma_wait3A_46 = arith.constant 0 : i32
      %dma_wait3A_47 = tpu.memref_slice %arg3[%add3A, %run_scoped3A_6, %run_scoped3A_7, %dma_wait3A_46] : memref<32x2x2x64xi32, #tpu.memory_space<hbm>> -> memref<1x1x1x64xi32, #tpu.memory_space<hbm>>
      %dma_wait3A_48 = tpu.memref_squeeze %dma_wait3A_47 : memref<1x1x1x64xi32, #tpu.memory_space<hbm>> -> memref<64xi32, #tpu.memory_space<hbm>>
      tpu.wait_dma2 semaphore(%run_scoped3A_36 : memref<!tpu.dma_semaphore, #tpu.memory_space<semaphore_mem>>) src(%dma_wait3A_48 : memref<64xi32, #tpu.memory_space<hbm>>) dst(%arg11 : memref<64xi32, #tpu.memory_space<vmem>>)
      tpu.yield
    }) : () -> ()
    %run_scoped3A_8 = arith.constant 1 : i32
    %run_scoped3A_9 = arith.constant 1 : i32
    "tpu.region"() ({
      %run_scoped3A_36 = tpu.sem_alloc : memref<!tpu.dma_semaphore, #tpu.memory_space<semaphore_mem>>
      %dma_start3A_37 = arith.constant 0 : i32
      %dma_start3A_38 = tpu.memref_slice %arg3[%add3A, %run_scoped3A_8, %run_scoped3A_9, %dma_start3A_37] : memref<32x2x2x64xi32, #tpu.memory_space<hbm>> -> memref<1x1x1x64xi32, #tpu.memory_space<hbm>>
      %dma_start3A_39 = tpu.memref_squeeze %dma_start3A_38 : memref<1x1x1x64xi32, #tpu.memory_space<hbm>> -> memref<64xi32, #tpu.memory_space<hbm>>
      %dma_start3A_40 = arith.constant 0 : i32
      %dma_start3A_41 = tpu.memref_slice %arg3[%add3A, %run_scoped3A_8, %run_scoped3A_9, %dma_start3A_40] : memref<32x2x2x64xi32, #tpu.memory_space<hbm>> -> memref<1x1x1x64xi32, #tpu.memory_space<hbm>>
      %dma_start3A_42 = tpu.memref_squeeze %dma_start3A_41 : memref<1x1x1x64xi32, #tpu.memory_space<hbm>> -> memref<64xi32, #tpu.memory_space<hbm>>
      tpu.enqueue_dma source(%dma_start3A_42 : memref<64xi32, #tpu.memory_space<hbm>>) target(%arg12 : memref<64xi32, #tpu.memory_space<vmem>>) target_semaphore(%run_scoped3A_36 : memref<!tpu.dma_semaphore, #tpu.memory_space<semaphore_mem>>)
      %dma_wait3A_43 = arith.constant 0 : i32
      %dma_wait3A_44 = tpu.memref_slice %arg3[%add3A, %run_scoped3A_8, %run_scoped3A_9, %dma_wait3A_43] : memref<32x2x2x64xi32, #tpu.memory_space<hbm>> -> memref<1x1x1x64xi32, #tpu.memory_space<hbm>>
      %dma_wait3A_45 = tpu.memref_squeeze %dma_wait3A_44 : memref<1x1x1x64xi32, #tpu.memory_space<hbm>> -> memref<64xi32, #tpu.memory_space<hbm>>
      %dma_wait3A_46 = arith.constant 0 : i32
      %dma_wait3A_47 = tpu.memref_slice %arg3[%add3A, %run_scoped3A_8, %run_scoped3A_9, %dma_wait3A_46] : memref<32x2x2x64xi32, #tpu.memory_space<hbm>> -> memref<1x1x1x64xi32, #tpu.memory_space<hbm>>
      %dma_wait3A_48 = tpu.memref_squeeze %dma_wait3A_47 : memref<1x1x1x64xi32, #tpu.memory_space<hbm>> -> memref<64xi32, #tpu.memory_space<hbm>>
      tpu.wait_dma2 semaphore(%run_scoped3A_36 : memref<!tpu.dma_semaphore, #tpu.memory_space<semaphore_mem>>) src(%dma_wait3A_48 : memref<64xi32, #tpu.memory_space<hbm>>) dst(%arg12 : memref<64xi32, #tpu.memory_space<vmem>>)
      tpu.yield
    }) : () -> ()
    %dma_start3A = arith.constant 0 : i32
    %dma_start3A_10 = arith.constant 0 : i32
    %dma_start3A_11 = tpu.memref_slice %arg2[%dma_start3A, %dma_start3A_10] : memref<10240x512xi32, #tpu.memory_space<hbm>> -> memref<10240x512xi32, #tpu.memory_space<hbm>>
    tpu.enqueue_indirect_dma source(%dma_start3A_11 : memref<10240x512xi32, #tpu.memory_space<hbm>>) target(%arg6 : memref<64x512xi32, #tpu.memory_space<vmem>>) offsets(%arg9 : memref<64xi32, #tpu.memory_space<vmem>>) semaphore(%arg13 : memref<!tpu.dma_semaphore, #tpu.memory_space<semaphore_mem>>)
    %dma_start3A_12 = arith.constant 0 : i32
    %dma_start3A_13 = arith.constant 0 : i32
    %dma_start3A_14 = tpu.memref_slice %arg2[%dma_start3A_12, %dma_start3A_13] : memref<10240x512xi32, #tpu.memory_space<hbm>> -> memref<10240x512xi32, #tpu.memory_space<hbm>>
    tpu.enqueue_indirect_dma source(%dma_start3A_14 : memref<10240x512xi32, #tpu.memory_space<hbm>>) target(%arg7 : memref<64x512xi32, #tpu.memory_space<vmem>>) offsets(%arg10 : memref<64xi32, #tpu.memory_space<vmem>>) semaphore(%arg14 : memref<!tpu.dma_semaphore, #tpu.memory_space<semaphore_mem>>)
    %dma_start3A_15 = arith.constant 0 : i32
    %dma_start3A_16 = arith.constant 0 : i32
    %dma_start3A_17 = tpu.memref_slice %arg2[%dma_start3A_15, %dma_start3A_16] : memref<10240x512xi32, #tpu.memory_space<hbm>> -> memref<10240x512xi32, #tpu.memory_space<hbm>>
    tpu.enqueue_indirect_dma source(%dma_start3A_17 : memref<10240x512xi32, #tpu.memory_space<hbm>>) target(%arg8 : memref<64x512xi32, #tpu.memory_space<vmem>>) offsets(%arg11 : memref<64xi32, #tpu.memory_space<vmem>>) semaphore(%arg15 : memref<!tpu.dma_semaphore, #tpu.memory_space<semaphore_mem>>)
    %dma_wait3A = arith.constant 0 : i32
    %dma_wait3A_18 = arith.constant 0 : i32
    %dma_wait3A_19 = tpu.memref_slice %arg2[%dma_wait3A, %dma_wait3A_18] : memref<10240x512xi32, #tpu.memory_space<hbm>> -> memref<10240x512xi32, #tpu.memory_space<hbm>>
    tpu.wait_indirect_dma semaphore(%arg13 : memref<!tpu.dma_semaphore, #tpu.memory_space<semaphore_mem>>) src(%dma_wait3A_19 : memref<10240x512xi32, #tpu.memory_space<hbm>>) dst(%arg6 : memref<64x512xi32, #tpu.memory_space<vmem>>)
    "tpu.region"() ({
      %run_scoped3A_36 = tpu.sem_alloc : memref<!tpu.dma_semaphore, #tpu.memory_space<semaphore_mem>>
      %dma_start3A_37 = arith.constant 0 : i32
      %dma_start3A_38 = tpu.memref_slice %arg4[%mul3A_2, %dma_start3A_37] : memref<4096x512xi32, #tpu.memory_space<hbm>> -> memref<64x512xi32, #tpu.memory_space<hbm>>
      %dma_start3A_39 = arith.constant 0 : i32
      %dma_start3A_40 = tpu.memref_slice %arg4[%mul3A_2, %dma_start3A_39] : memref<4096x512xi32, #tpu.memory_space<hbm>> -> memref<64x512xi32, #tpu.memory_space<hbm>>
      tpu.enqueue_dma source(%arg6 : memref<64x512xi32, #tpu.memory_space<vmem>>) target(%dma_start3A_40 : memref<64x512xi32, #tpu.memory_space<hbm>>) target_semaphore(%run_scoped3A_36 : memref<!tpu.dma_semaphore, #tpu.memory_space<semaphore_mem>>)
      %dma_wait3A_41 = arith.constant 0 : i32
      %dma_wait3A_42 = tpu.memref_slice %arg4[%mul3A_2, %dma_wait3A_41] : memref<4096x512xi32, #tpu.memory_space<hbm>> -> memref<64x512xi32, #tpu.memory_space<hbm>>
      %dma_wait3A_43 = arith.constant 0 : i32
      %dma_wait3A_44 = tpu.memref_slice %arg4[%mul3A_2, %dma_wait3A_43] : memref<4096x512xi32, #tpu.memory_space<hbm>> -> memref<64x512xi32, #tpu.memory_space<hbm>>
      tpu.wait_dma2 semaphore(%run_scoped3A_36 : memref<!tpu.dma_semaphore, #tpu.memory_space<semaphore_mem>>) src(%arg6 : memref<64x512xi32, #tpu.memory_space<vmem>>) dst(%dma_wait3A_44 : memref<64x512xi32, #tpu.memory_space<hbm>>)
      tpu.yield
    }) : () -> ()
    %dma_start3A_20 = arith.constant 0 : i32
    %dma_start3A_21 = arith.constant 0 : i32
    %dma_start3A_22 = tpu.memref_slice %arg2[%dma_start3A_20, %dma_start3A_21] : memref<10240x512xi32, #tpu.memory_space<hbm>> -> memref<10240x512xi32, #tpu.memory_space<hbm>>
    tpu.enqueue_indirect_dma source(%dma_start3A_22 : memref<10240x512xi32, #tpu.memory_space<hbm>>) target(%arg6 : memref<64x512xi32, #tpu.memory_space<vmem>>) offsets(%arg12 : memref<64xi32, #tpu.memory_space<vmem>>) semaphore(%arg16 : memref<!tpu.dma_semaphore, #tpu.memory_space<semaphore_mem>>)
    %dma_wait3A_23 = arith.constant 0 : i32
    %dma_wait3A_24 = arith.constant 0 : i32
    %dma_wait3A_25 = tpu.memref_slice %arg2[%dma_wait3A_23, %dma_wait3A_24] : memref<10240x512xi32, #tpu.memory_space<hbm>> -> memref<10240x512xi32, #tpu.memory_space<hbm>>
    tpu.wait_indirect_dma semaphore(%arg14 : memref<!tpu.dma_semaphore, #tpu.memory_space<semaphore_mem>>) src(%dma_wait3A_25 : memref<10240x512xi32, #tpu.memory_space<hbm>>) dst(%arg7 : memref<64x512xi32, #tpu.memory_space<vmem>>)
    "tpu.region"() ({
      %run_scoped3A_36 = tpu.sem_alloc : memref<!tpu.dma_semaphore, #tpu.memory_space<semaphore_mem>>
      %dma_start3A_37 = arith.constant 0 : i32
      %dma_start3A_38 = tpu.memref_slice %arg5[%mul3A_2, %dma_start3A_37] : memref<4096x512xi32, #tpu.memory_space<hbm>> -> memref<64x512xi32, #tpu.memory_space<hbm>>
      %dma_start3A_39 = arith.constant 0 : i32
      %dma_start3A_40 = tpu.memref_slice %arg5[%mul3A_2, %dma_start3A_39] : memref<4096x512xi32, #tpu.memory_space<hbm>> -> memref<64x512xi32, #tpu.memory_space<hbm>>
      tpu.enqueue_dma source(%arg7 : memref<64x512xi32, #tpu.memory_space<vmem>>) target(%dma_start3A_40 : memref<64x512xi32, #tpu.memory_space<hbm>>) target_semaphore(%run_scoped3A_36 : memref<!tpu.dma_semaphore, #tpu.memory_space<semaphore_mem>>)
      %dma_wait3A_41 = arith.constant 0 : i32
      %dma_wait3A_42 = tpu.memref_slice %arg5[%mul3A_2, %dma_wait3A_41] : memref<4096x512xi32, #tpu.memory_space<hbm>> -> memref<64x512xi32, #tpu.memory_space<hbm>>
      %dma_wait3A_43 = arith.constant 0 : i32
      %dma_wait3A_44 = tpu.memref_slice %arg5[%mul3A_2, %dma_wait3A_43] : memref<4096x512xi32, #tpu.memory_space<hbm>> -> memref<64x512xi32, #tpu.memory_space<hbm>>
      tpu.wait_dma2 semaphore(%run_scoped3A_36 : memref<!tpu.dma_semaphore, #tpu.memory_space<semaphore_mem>>) src(%arg7 : memref<64x512xi32, #tpu.memory_space<vmem>>) dst(%dma_wait3A_44 : memref<64x512xi32, #tpu.memory_space<hbm>>)
      tpu.yield
    }) : () -> ()
    %dma_wait3A_26 = arith.constant 0 : i32
    %dma_wait3A_27 = arith.constant 0 : i32
    %dma_wait3A_28 = tpu.memref_slice %arg2[%dma_wait3A_26, %dma_wait3A_27] : memref<10240x512xi32, #tpu.memory_space<hbm>> -> memref<10240x512xi32, #tpu.memory_space<hbm>>
    tpu.wait_indirect_dma semaphore(%arg15 : memref<!tpu.dma_semaphore, #tpu.memory_space<semaphore_mem>>) src(%dma_wait3A_28 : memref<10240x512xi32, #tpu.memory_space<hbm>>) dst(%arg8 : memref<64x512xi32, #tpu.memory_space<vmem>>)
    %add3A_29 = arith.constant 64 : i32
    %add3A_30 = arith.addi %mul3A_2, %add3A_29 : i32
    "tpu.region"() ({
      %run_scoped3A_36 = tpu.sem_alloc : memref<!tpu.dma_semaphore, #tpu.memory_space<semaphore_mem>>
      %dma_start3A_37 = arith.constant 0 : i32
      %dma_start3A_38 = tpu.memref_slice %arg4[%add3A_30, %dma_start3A_37] : memref<4096x512xi32, #tpu.memory_space<hbm>> -> memref<64x512xi32, #tpu.memory_space<hbm>>
      %dma_start3A_39 = arith.constant 0 : i32
      %dma_start3A_40 = tpu.memref_slice %arg4[%add3A_30, %dma_start3A_39] : memref<4096x512xi32, #tpu.memory_space<hbm>> -> memref<64x512xi32, #tpu.memory_space<hbm>>
      tpu.enqueue_dma source(%arg8 : memref<64x512xi32, #tpu.memory_space<vmem>>) target(%dma_start3A_40 : memref<64x512xi32, #tpu.memory_space<hbm>>) target_semaphore(%run_scoped3A_36 : memref<!tpu.dma_semaphore, #tpu.memory_space<semaphore_mem>>)
      %dma_wait3A_41 = arith.constant 0 : i32
      %dma_wait3A_42 = tpu.memref_slice %arg4[%add3A_30, %dma_wait3A_41] : memref<4096x512xi32, #tpu.memory_space<hbm>> -> memref<64x512xi32, #tpu.memory_space<hbm>>
      %dma_wait3A_43 = arith.constant 0 : i32
      %dma_wait3A_44 = tpu.memref_slice %arg4[%add3A_30, %dma_wait3A_43] : memref<4096x512xi32, #tpu.memory_space<hbm>> -> memref<64x512xi32, #tpu.memory_space<hbm>>
      tpu.wait_dma2 semaphore(%run_scoped3A_36 : memref<!tpu.dma_semaphore, #tpu.memory_space<semaphore_mem>>) src(%arg8 : memref<64x512xi32, #tpu.memory_space<vmem>>) dst(%dma_wait3A_44 : memref<64x512xi32, #tpu.memory_space<hbm>>)
      tpu.yield
    }) : () -> ()
    %dma_wait3A_31 = arith.constant 0 : i32
    %dma_wait3A_32 = arith.constant 0 : i32
    %dma_wait3A_33 = tpu.memref_slice %arg2[%dma_wait3A_31, %dma_wait3A_32] : memref<10240x512xi32, #tpu.memory_space<hbm>> -> memref<10240x512xi32, #tpu.memory_space<hbm>>
    tpu.wait_indirect_dma semaphore(%arg16 : memref<!tpu.dma_semaphore, #tpu.memory_space<semaphore_mem>>) src(%dma_wait3A_33 : memref<10240x512xi32, #tpu.memory_space<hbm>>) dst(%arg6 : memref<64x512xi32, #tpu.memory_space<vmem>>)
    %add3A_34 = arith.constant 64 : i32
    %add3A_35 = arith.addi %mul3A_2, %add3A_34 : i32
    "tpu.region"() ({
      %run_scoped3A_36 = tpu.sem_alloc : memref<!tpu.dma_semaphore, #tpu.memory_space<semaphore_mem>>
      %dma_start3A_37 = arith.constant 0 : i32
      %dma_start3A_38 = tpu.memref_slice %arg5[%add3A_35, %dma_start3A_37] : memref<4096x512xi32, #tpu.memory_space<hbm>> -> memref<64x512xi32, #tpu.memory_space<hbm>>
      %dma_start3A_39 = arith.constant 0 : i32
      %dma_start3A_40 = tpu.memref_slice %arg5[%add3A_35, %dma_start3A_39] : memref<4096x512xi32, #tpu.memory_space<hbm>> -> memref<64x512xi32, #tpu.memory_space<hbm>>
      tpu.enqueue_dma source(%arg6 : memref<64x512xi32, #tpu.memory_space<vmem>>) target(%dma_start3A_40 : memref<64x512xi32, #tpu.memory_space<hbm>>) target_semaphore(%run_scoped3A_36 : memref<!tpu.dma_semaphore, #tpu.memory_space<semaphore_mem>>)
      %dma_wait3A_41 = arith.constant 0 : i32
      %dma_wait3A_42 = tpu.memref_slice %arg5[%add3A_35, %dma_wait3A_41] : memref<4096x512xi32, #tpu.memory_space<hbm>> -> memref<64x512xi32, #tpu.memory_space<hbm>>
      %dma_wait3A_43 = arith.constant 0 : i32
      %dma_wait3A_44 = tpu.memref_slice %arg5[%add3A_35, %dma_wait3A_43] : memref<4096x512xi32, #tpu.memory_space<hbm>> -> memref<64x512xi32, #tpu.memory_space<hbm>>
      tpu.wait_dma2 semaphore(%run_scoped3A_36 : memref<!tpu.dma_semaphore, #tpu.memory_space<semaphore_mem>>) src(%arg6 : memref<64x512xi32, #tpu.memory_space<vmem>>) dst(%dma_wait3A_44 : memref<64x512xi32, #tpu.memory_space<hbm>>)
      tpu.yield
    }) : () -> ()
    return
  }
}

#map = affine_map<(d0, d1) -> (0, 0)>
#map1 = affine_map<(d0, d1) -> (0, 0, 0, 0)>
module attributes {stable_mosaic.version = 14 : i64} {
  func.func @_dispatch_body(%arg0: i32, %arg1: i32, %arg2: memref<4096x512xi32, #tpu.memory_space<hbm>>, %arg3: memref<32x2x2x64xi32, #tpu.memory_space<hbm>>, %arg4: memref<10240x512xi32, #tpu.memory_space<hbm>>, %arg5: memref<64x512xi32, #tpu.memory_space<vmem>>, %arg6: memref<64xi32, #tpu.memory_space<vmem>>, %arg7: memref<64xi32, #tpu.memory_space<vmem>>, %arg8: memref<!tpu.dma_semaphore, #tpu.memory_space<semaphore_mem>>) attributes {dimension_semantics = [#tpu.dimension_semantics<core_parallel>, #tpu.dimension_semantics<subcore_parallel>], iteration_bounds = array<i64: 2, 16>, scalar_prefetch = 0 : i64, scratch_operands = 4 : i64, tpu.core_type = #tpu.core_type<sc_vector_subcore>, window_params = [{transform_indices = #map}, {transform_indices = #map1}, {transform_indices = #map}]} {
    %mul3A = arith.constant 2 : i32
    %mul3A_0 = arith.muli %arg1, %mul3A : i32
    %add3A = arith.addi %mul3A_0, %arg0 : i32
    %mul3A_1 = arith.constant 128 : i32
    %mul3A_2 = arith.muli %add3A, %mul3A_1 : i32
    %add3A_3 = arith.constant 0 : i32
    %add3A_4 = arith.addi %mul3A_2, %add3A_3 : i32
    "tpu.region"() ({
      %run_scoped3A_38 = tpu.sem_alloc : memref<!tpu.dma_semaphore, #tpu.memory_space<semaphore_mem>>
      %dma_start3A_39 = arith.constant 0 : i32
      %dma_start3A_40 = tpu.memref_slice %arg2[%add3A_4, %dma_start3A_39] : memref<4096x512xi32, #tpu.memory_space<hbm>> -> memref<64x512xi32, #tpu.memory_space<hbm>>
      %dma_start3A_41 = arith.constant 0 : i32
      %dma_start3A_42 = tpu.memref_slice %arg2[%add3A_4, %dma_start3A_41] : memref<4096x512xi32, #tpu.memory_space<hbm>> -> memref<64x512xi32, #tpu.memory_space<hbm>>
      tpu.enqueue_dma source(%dma_start3A_42 : memref<64x512xi32, #tpu.memory_space<hbm>>) target(%arg5 : memref<64x512xi32, #tpu.memory_space<vmem>>) target_semaphore(%run_scoped3A_38 : memref<!tpu.dma_semaphore, #tpu.memory_space<semaphore_mem>>)
      %dma_wait3A_43 = arith.constant 0 : i32
      %dma_wait3A_44 = tpu.memref_slice %arg2[%add3A_4, %dma_wait3A_43] : memref<4096x512xi32, #tpu.memory_space<hbm>> -> memref<64x512xi32, #tpu.memory_space<hbm>>
      %dma_wait3A_45 = arith.constant 0 : i32
      %dma_wait3A_46 = tpu.memref_slice %arg2[%add3A_4, %dma_wait3A_45] : memref<4096x512xi32, #tpu.memory_space<hbm>> -> memref<64x512xi32, #tpu.memory_space<hbm>>
      tpu.wait_dma2 semaphore(%run_scoped3A_38 : memref<!tpu.dma_semaphore, #tpu.memory_space<semaphore_mem>>) src(%dma_wait3A_46 : memref<64x512xi32, #tpu.memory_space<hbm>>) dst(%arg5 : memref<64x512xi32, #tpu.memory_space<vmem>>)
      tpu.yield
    }) : () -> ()
    %run_scoped3A = arith.constant 0 : i32
    %run_scoped3A_5 = arith.constant 0 : i32
    "tpu.region"() ({
      %run_scoped3A_38 = tpu.sem_alloc : memref<!tpu.dma_semaphore, #tpu.memory_space<semaphore_mem>>
      %dma_start3A_39 = arith.constant 0 : i32
      %dma_start3A_40 = tpu.memref_slice %arg3[%add3A, %run_scoped3A, %run_scoped3A_5, %dma_start3A_39] : memref<32x2x2x64xi32, #tpu.memory_space<hbm>> -> memref<1x1x1x64xi32, #tpu.memory_space<hbm>>
      %dma_start3A_41 = tpu.memref_squeeze %dma_start3A_40 : memref<1x1x1x64xi32, #tpu.memory_space<hbm>> -> memref<64xi32, #tpu.memory_space<hbm>>
      %dma_start3A_42 = arith.constant 0 : i32
      %dma_start3A_43 = tpu.memref_slice %arg3[%add3A, %run_scoped3A, %run_scoped3A_5, %dma_start3A_42] : memref<32x2x2x64xi32, #tpu.memory_space<hbm>> -> memref<1x1x1x64xi32, #tpu.memory_space<hbm>>
      %dma_start3A_44 = tpu.memref_squeeze %dma_start3A_43 : memref<1x1x1x64xi32, #tpu.memory_space<hbm>> -> memref<64xi32, #tpu.memory_space<hbm>>
      tpu.enqueue_dma source(%dma_start3A_44 : memref<64xi32, #tpu.memory_space<hbm>>) target(%arg6 : memref<64xi32, #tpu.memory_space<vmem>>) target_semaphore(%run_scoped3A_38 : memref<!tpu.dma_semaphore, #tpu.memory_space<semaphore_mem>>)
      %dma_wait3A_45 = arith.constant 0 : i32
      %dma_wait3A_46 = tpu.memref_slice %arg3[%add3A, %run_scoped3A, %run_scoped3A_5, %dma_wait3A_45] : memref<32x2x2x64xi32, #tpu.memory_space<hbm>> -> memref<1x1x1x64xi32, #tpu.memory_space<hbm>>
      %dma_wait3A_47 = tpu.memref_squeeze %dma_wait3A_46 : memref<1x1x1x64xi32, #tpu.memory_space<hbm>> -> memref<64xi32, #tpu.memory_space<hbm>>
      %dma_wait3A_48 = arith.constant 0 : i32
      %dma_wait3A_49 = tpu.memref_slice %arg3[%add3A, %run_scoped3A, %run_scoped3A_5, %dma_wait3A_48] : memref<32x2x2x64xi32, #tpu.memory_space<hbm>> -> memref<1x1x1x64xi32, #tpu.memory_space<hbm>>
      %dma_wait3A_50 = tpu.memref_squeeze %dma_wait3A_49 : memref<1x1x1x64xi32, #tpu.memory_space<hbm>> -> memref<64xi32, #tpu.memory_space<hbm>>
      tpu.wait_dma2 semaphore(%run_scoped3A_38 : memref<!tpu.dma_semaphore, #tpu.memory_space<semaphore_mem>>) src(%dma_wait3A_50 : memref<64xi32, #tpu.memory_space<hbm>>) dst(%arg6 : memref<64xi32, #tpu.memory_space<vmem>>)
      tpu.yield
    }) : () -> ()
    %run_scoped3A_6 = arith.constant 0 : i32
    %run_scoped3A_7 = arith.constant 1 : i32
    "tpu.region"() ({
      %run_scoped3A_38 = tpu.sem_alloc : memref<!tpu.dma_semaphore, #tpu.memory_space<semaphore_mem>>
      %dma_start3A_39 = arith.constant 0 : i32
      %dma_start3A_40 = tpu.memref_slice %arg3[%add3A, %run_scoped3A_6, %run_scoped3A_7, %dma_start3A_39] : memref<32x2x2x64xi32, #tpu.memory_space<hbm>> -> memref<1x1x1x64xi32, #tpu.memory_space<hbm>>
      %dma_start3A_41 = tpu.memref_squeeze %dma_start3A_40 : memref<1x1x1x64xi32, #tpu.memory_space<hbm>> -> memref<64xi32, #tpu.memory_space<hbm>>
      %dma_start3A_42 = arith.constant 0 : i32
      %dma_start3A_43 = tpu.memref_slice %arg3[%add3A, %run_scoped3A_6, %run_scoped3A_7, %dma_start3A_42] : memref<32x2x2x64xi32, #tpu.memory_space<hbm>> -> memref<1x1x1x64xi32, #tpu.memory_space<hbm>>
      %dma_start3A_44 = tpu.memref_squeeze %dma_start3A_43 : memref<1x1x1x64xi32, #tpu.memory_space<hbm>> -> memref<64xi32, #tpu.memory_space<hbm>>
      tpu.enqueue_dma source(%dma_start3A_44 : memref<64xi32, #tpu.memory_space<hbm>>) target(%arg7 : memref<64xi32, #tpu.memory_space<vmem>>) target_semaphore(%run_scoped3A_38 : memref<!tpu.dma_semaphore, #tpu.memory_space<semaphore_mem>>)
      %dma_wait3A_45 = arith.constant 0 : i32
      %dma_wait3A_46 = tpu.memref_slice %arg3[%add3A, %run_scoped3A_6, %run_scoped3A_7, %dma_wait3A_45] : memref<32x2x2x64xi32, #tpu.memory_space<hbm>> -> memref<1x1x1x64xi32, #tpu.memory_space<hbm>>
      %dma_wait3A_47 = tpu.memref_squeeze %dma_wait3A_46 : memref<1x1x1x64xi32, #tpu.memory_space<hbm>> -> memref<64xi32, #tpu.memory_space<hbm>>
      %dma_wait3A_48 = arith.constant 0 : i32
      %dma_wait3A_49 = tpu.memref_slice %arg3[%add3A, %run_scoped3A_6, %run_scoped3A_7, %dma_wait3A_48] : memref<32x2x2x64xi32, #tpu.memory_space<hbm>> -> memref<1x1x1x64xi32, #tpu.memory_space<hbm>>
      %dma_wait3A_50 = tpu.memref_squeeze %dma_wait3A_49 : memref<1x1x1x64xi32, #tpu.memory_space<hbm>> -> memref<64xi32, #tpu.memory_space<hbm>>
      tpu.wait_dma2 semaphore(%run_scoped3A_38 : memref<!tpu.dma_semaphore, #tpu.memory_space<semaphore_mem>>) src(%dma_wait3A_50 : memref<64xi32, #tpu.memory_space<hbm>>) dst(%arg7 : memref<64xi32, #tpu.memory_space<vmem>>)
      tpu.yield
    }) : () -> ()
    %dma_start3A = arith.constant 0 : i32
    %dma_start3A_8 = arith.constant 0 : i32
    %dma_start3A_9 = tpu.memref_slice %arg4[%dma_start3A, %dma_start3A_8] : memref<10240x512xi32, #tpu.memory_space<hbm>> -> memref<10240x512xi32, #tpu.memory_space<hbm>>
    tpu.enqueue_indirect_dma source(%arg5 : memref<64x512xi32, #tpu.memory_space<vmem>>) target(%dma_start3A_9 : memref<10240x512xi32, #tpu.memory_space<hbm>>) offsets(%arg6 : memref<64xi32, #tpu.memory_space<vmem>>) semaphore(%arg8 : memref<!tpu.dma_semaphore, #tpu.memory_space<semaphore_mem>>)
    %dma_start3A_10 = arith.constant 0 : i32
    %dma_start3A_11 = arith.constant 0 : i32
    %dma_start3A_12 = tpu.memref_slice %arg4[%dma_start3A_10, %dma_start3A_11] : memref<10240x512xi32, #tpu.memory_space<hbm>> -> memref<10240x512xi32, #tpu.memory_space<hbm>>
    tpu.enqueue_indirect_dma source(%arg5 : memref<64x512xi32, #tpu.memory_space<vmem>>) target(%dma_start3A_12 : memref<10240x512xi32, #tpu.memory_space<hbm>>) offsets(%arg7 : memref<64xi32, #tpu.memory_space<vmem>>) semaphore(%arg8 : memref<!tpu.dma_semaphore, #tpu.memory_space<semaphore_mem>>)
    %dma_wait3A = arith.constant 0 : i32
    %dma_wait3A_13 = arith.constant 0 : i32
    %dma_wait3A_14 = tpu.memref_slice %arg4[%dma_wait3A, %dma_wait3A_13] : memref<10240x512xi32, #tpu.memory_space<hbm>> -> memref<10240x512xi32, #tpu.memory_space<hbm>>
    tpu.wait_indirect_dma semaphore(%arg8 : memref<!tpu.dma_semaphore, #tpu.memory_space<semaphore_mem>>) src(%arg5 : memref<64x512xi32, #tpu.memory_space<vmem>>) dst(%dma_wait3A_14 : memref<10240x512xi32, #tpu.memory_space<hbm>>)
    %dma_wait3A_15 = arith.constant 0 : i32
    %dma_wait3A_16 = arith.constant 0 : i32
    %dma_wait3A_17 = tpu.memref_slice %arg4[%dma_wait3A_15, %dma_wait3A_16] : memref<10240x512xi32, #tpu.memory_space<hbm>> -> memref<10240x512xi32, #tpu.memory_space<hbm>>
    tpu.wait_indirect_dma semaphore(%arg8 : memref<!tpu.dma_semaphore, #tpu.memory_space<semaphore_mem>>) src(%arg5 : memref<64x512xi32, #tpu.memory_space<vmem>>) dst(%dma_wait3A_17 : memref<10240x512xi32, #tpu.memory_space<hbm>>)
    %mul3A_18 = arith.constant 128 : i32
    %mul3A_19 = arith.muli %add3A, %mul3A_18 : i32
    %add3A_20 = arith.constant 64 : i32
    %add3A_21 = arith.addi %mul3A_19, %add3A_20 : i32
    "tpu.region"() ({
      %run_scoped3A_38 = tpu.sem_alloc : memref<!tpu.dma_semaphore, #tpu.memory_space<semaphore_mem>>
      %dma_start3A_39 = arith.constant 0 : i32
      %dma_start3A_40 = tpu.memref_slice %arg2[%add3A_21, %dma_start3A_39] : memref<4096x512xi32, #tpu.memory_space<hbm>> -> memref<64x512xi32, #tpu.memory_space<hbm>>
      %dma_start3A_41 = arith.constant 0 : i32
      %dma_start3A_42 = tpu.memref_slice %arg2[%add3A_21, %dma_start3A_41] : memref<4096x512xi32, #tpu.memory_space<hbm>> -> memref<64x512xi32, #tpu.memory_space<hbm>>
      tpu.enqueue_dma source(%dma_start3A_42 : memref<64x512xi32, #tpu.memory_space<hbm>>) target(%arg5 : memref<64x512xi32, #tpu.memory_space<vmem>>) target_semaphore(%run_scoped3A_38 : memref<!tpu.dma_semaphore, #tpu.memory_space<semaphore_mem>>)
      %dma_wait3A_43 = arith.constant 0 : i32
      %dma_wait3A_44 = tpu.memref_slice %arg2[%add3A_21, %dma_wait3A_43] : memref<4096x512xi32, #tpu.memory_space<hbm>> -> memref<64x512xi32, #tpu.memory_space<hbm>>
      %dma_wait3A_45 = arith.constant 0 : i32
      %dma_wait3A_46 = tpu.memref_slice %arg2[%add3A_21, %dma_wait3A_45] : memref<4096x512xi32, #tpu.memory_space<hbm>> -> memref<64x512xi32, #tpu.memory_space<hbm>>
      tpu.wait_dma2 semaphore(%run_scoped3A_38 : memref<!tpu.dma_semaphore, #tpu.memory_space<semaphore_mem>>) src(%dma_wait3A_46 : memref<64x512xi32, #tpu.memory_space<hbm>>) dst(%arg5 : memref<64x512xi32, #tpu.memory_space<vmem>>)
      tpu.yield
    }) : () -> ()
    %run_scoped3A_22 = arith.constant 1 : i32
    %run_scoped3A_23 = arith.constant 0 : i32
    "tpu.region"() ({
      %run_scoped3A_38 = tpu.sem_alloc : memref<!tpu.dma_semaphore, #tpu.memory_space<semaphore_mem>>
      %dma_start3A_39 = arith.constant 0 : i32
      %dma_start3A_40 = tpu.memref_slice %arg3[%add3A, %run_scoped3A_22, %run_scoped3A_23, %dma_start3A_39] : memref<32x2x2x64xi32, #tpu.memory_space<hbm>> -> memref<1x1x1x64xi32, #tpu.memory_space<hbm>>
      %dma_start3A_41 = tpu.memref_squeeze %dma_start3A_40 : memref<1x1x1x64xi32, #tpu.memory_space<hbm>> -> memref<64xi32, #tpu.memory_space<hbm>>
      %dma_start3A_42 = arith.constant 0 : i32
      %dma_start3A_43 = tpu.memref_slice %arg3[%add3A, %run_scoped3A_22, %run_scoped3A_23, %dma_start3A_42] : memref<32x2x2x64xi32, #tpu.memory_space<hbm>> -> memref<1x1x1x64xi32, #tpu.memory_space<hbm>>
      %dma_start3A_44 = tpu.memref_squeeze %dma_start3A_43 : memref<1x1x1x64xi32, #tpu.memory_space<hbm>> -> memref<64xi32, #tpu.memory_space<hbm>>
      tpu.enqueue_dma source(%dma_start3A_44 : memref<64xi32, #tpu.memory_space<hbm>>) target(%arg6 : memref<64xi32, #tpu.memory_space<vmem>>) target_semaphore(%run_scoped3A_38 : memref<!tpu.dma_semaphore, #tpu.memory_space<semaphore_mem>>)
      %dma_wait3A_45 = arith.constant 0 : i32
      %dma_wait3A_46 = tpu.memref_slice %arg3[%add3A, %run_scoped3A_22, %run_scoped3A_23, %dma_wait3A_45] : memref<32x2x2x64xi32, #tpu.memory_space<hbm>> -> memref<1x1x1x64xi32, #tpu.memory_space<hbm>>
      %dma_wait3A_47 = tpu.memref_squeeze %dma_wait3A_46 : memref<1x1x1x64xi32, #tpu.memory_space<hbm>> -> memref<64xi32, #tpu.memory_space<hbm>>
      %dma_wait3A_48 = arith.constant 0 : i32
      %dma_wait3A_49 = tpu.memref_slice %arg3[%add3A, %run_scoped3A_22, %run_scoped3A_23, %dma_wait3A_48] : memref<32x2x2x64xi32, #tpu.memory_space<hbm>> -> memref<1x1x1x64xi32, #tpu.memory_space<hbm>>
      %dma_wait3A_50 = tpu.memref_squeeze %dma_wait3A_49 : memref<1x1x1x64xi32, #tpu.memory_space<hbm>> -> memref<64xi32, #tpu.memory_space<hbm>>
      tpu.wait_dma2 semaphore(%run_scoped3A_38 : memref<!tpu.dma_semaphore, #tpu.memory_space<semaphore_mem>>) src(%dma_wait3A_50 : memref<64xi32, #tpu.memory_space<hbm>>) dst(%arg6 : memref<64xi32, #tpu.memory_space<vmem>>)
      tpu.yield
    }) : () -> ()
    %run_scoped3A_24 = arith.constant 1 : i32
    %run_scoped3A_25 = arith.constant 1 : i32
    "tpu.region"() ({
      %run_scoped3A_38 = tpu.sem_alloc : memref<!tpu.dma_semaphore, #tpu.memory_space<semaphore_mem>>
      %dma_start3A_39 = arith.constant 0 : i32
      %dma_start3A_40 = tpu.memref_slice %arg3[%add3A, %run_scoped3A_24, %run_scoped3A_25, %dma_start3A_39] : memref<32x2x2x64xi32, #tpu.memory_space<hbm>> -> memref<1x1x1x64xi32, #tpu.memory_space<hbm>>
      %dma_start3A_41 = tpu.memref_squeeze %dma_start3A_40 : memref<1x1x1x64xi32, #tpu.memory_space<hbm>> -> memref<64xi32, #tpu.memory_space<hbm>>
      %dma_start3A_42 = arith.constant 0 : i32
      %dma_start3A_43 = tpu.memref_slice %arg3[%add3A, %run_scoped3A_24, %run_scoped3A_25, %dma_start3A_42] : memref<32x2x2x64xi32, #tpu.memory_space<hbm>> -> memref<1x1x1x64xi32, #tpu.memory_space<hbm>>
      %dma_start3A_44 = tpu.memref_squeeze %dma_start3A_43 : memref<1x1x1x64xi32, #tpu.memory_space<hbm>> -> memref<64xi32, #tpu.memory_space<hbm>>
      tpu.enqueue_dma source(%dma_start3A_44 : memref<64xi32, #tpu.memory_space<hbm>>) target(%arg7 : memref<64xi32, #tpu.memory_space<vmem>>) target_semaphore(%run_scoped3A_38 : memref<!tpu.dma_semaphore, #tpu.memory_space<semaphore_mem>>)
      %dma_wait3A_45 = arith.constant 0 : i32
      %dma_wait3A_46 = tpu.memref_slice %arg3[%add3A, %run_scoped3A_24, %run_scoped3A_25, %dma_wait3A_45] : memref<32x2x2x64xi32, #tpu.memory_space<hbm>> -> memref<1x1x1x64xi32, #tpu.memory_space<hbm>>
      %dma_wait3A_47 = tpu.memref_squeeze %dma_wait3A_46 : memref<1x1x1x64xi32, #tpu.memory_space<hbm>> -> memref<64xi32, #tpu.memory_space<hbm>>
      %dma_wait3A_48 = arith.constant 0 : i32
      %dma_wait3A_49 = tpu.memref_slice %arg3[%add3A, %run_scoped3A_24, %run_scoped3A_25, %dma_wait3A_48] : memref<32x2x2x64xi32, #tpu.memory_space<hbm>> -> memref<1x1x1x64xi32, #tpu.memory_space<hbm>>
      %dma_wait3A_50 = tpu.memref_squeeze %dma_wait3A_49 : memref<1x1x1x64xi32, #tpu.memory_space<hbm>> -> memref<64xi32, #tpu.memory_space<hbm>>
      tpu.wait_dma2 semaphore(%run_scoped3A_38 : memref<!tpu.dma_semaphore, #tpu.memory_space<semaphore_mem>>) src(%dma_wait3A_50 : memref<64xi32, #tpu.memory_space<hbm>>) dst(%arg7 : memref<64xi32, #tpu.memory_space<vmem>>)
      tpu.yield
    }) : () -> ()
    %dma_start3A_26 = arith.constant 0 : i32
    %dma_start3A_27 = arith.constant 0 : i32
    %dma_start3A_28 = tpu.memref_slice %arg4[%dma_start3A_26, %dma_start3A_27] : memref<10240x512xi32, #tpu.memory_space<hbm>> -> memref<10240x512xi32, #tpu.memory_space<hbm>>
    tpu.enqueue_indirect_dma source(%arg5 : memref<64x512xi32, #tpu.memory_space<vmem>>) target(%dma_start3A_28 : memref<10240x512xi32, #tpu.memory_space<hbm>>) offsets(%arg6 : memref<64xi32, #tpu.memory_space<vmem>>) semaphore(%arg8 : memref<!tpu.dma_semaphore, #tpu.memory_space<semaphore_mem>>)
    %dma_start3A_29 = arith.constant 0 : i32
    %dma_start3A_30 = arith.constant 0 : i32
    %dma_start3A_31 = tpu.memref_slice %arg4[%dma_start3A_29, %dma_start3A_30] : memref<10240x512xi32, #tpu.memory_space<hbm>> -> memref<10240x512xi32, #tpu.memory_space<hbm>>
    tpu.enqueue_indirect_dma source(%arg5 : memref<64x512xi32, #tpu.memory_space<vmem>>) target(%dma_start3A_31 : memref<10240x512xi32, #tpu.memory_space<hbm>>) offsets(%arg7 : memref<64xi32, #tpu.memory_space<vmem>>) semaphore(%arg8 : memref<!tpu.dma_semaphore, #tpu.memory_space<semaphore_mem>>)
    %dma_wait3A_32 = arith.constant 0 : i32
    %dma_wait3A_33 = arith.constant 0 : i32
    %dma_wait3A_34 = tpu.memref_slice %arg4[%dma_wait3A_32, %dma_wait3A_33] : memref<10240x512xi32, #tpu.memory_space<hbm>> -> memref<10240x512xi32, #tpu.memory_space<hbm>>
    tpu.wait_indirect_dma semaphore(%arg8 : memref<!tpu.dma_semaphore, #tpu.memory_space<semaphore_mem>>) src(%arg5 : memref<64x512xi32, #tpu.memory_space<vmem>>) dst(%dma_wait3A_34 : memref<10240x512xi32, #tpu.memory_space<hbm>>)
    %dma_wait3A_35 = arith.constant 0 : i32
    %dma_wait3A_36 = arith.constant 0 : i32
    %dma_wait3A_37 = tpu.memref_slice %arg4[%dma_wait3A_35, %dma_wait3A_36] : memref<10240x512xi32, #tpu.memory_space<hbm>> -> memref<10240x512xi32, #tpu.memory_space<hbm>>
    tpu.wait_indirect_dma semaphore(%arg8 : memref<!tpu.dma_semaphore, #tpu.memory_space<semaphore_mem>>) src(%arg5 : memref<64x512xi32, #tpu.memory_space<vmem>>) dst(%dma_wait3A_37 : memref<10240x512xi32, #tpu.memory_space<hbm>>)
    return
  }
}

module attributes {stable_mosaic.version = 14 : i64} {
  func.func @_router_body(%arg0: memref<4096x1024xf32, #tpu.memory_space<vmem>>, %arg1: memref<8x1024xf32, #tpu.memory_space<vmem>>, %arg2: memref<1x8xf32, #tpu.memory_space<vmem>>, %arg3: memref<4096x128xi32, #tpu.memory_space<vmem>>, %arg4: memref<4096x128xf32, #tpu.memory_space<vmem>>, %arg5: memref<1x128xi32, #tpu.memory_space<vmem>>, %arg6: memref<4096x512xi32, #tpu.memory_space<vmem>>) attributes {dimension_semantics = [], scalar_prefetch = 0 : i64, scratch_operands = 0 : i64, tpu.core_type = #tpu.core_type<tc>} {
    %get3A = arith.constant 0 : index
    %get3A_0 = arith.constant 0 : index
    %get3A_1 = vector.load %arg0[%get3A, %get3A_0] : memref<4096x1024xf32, #tpu.memory_space<vmem>>, vector<4096x1024xf32>
    %bitcast_convert_type3A = tpu.bitcast %get3A_1 : vector<4096x1024xf32> -> vector<4096x1024xi32>
    %slice3A = vector.extract_strided_slice %bitcast_convert_type3A {offsets = [0, 0], sizes = [4096, 512], strides = [1, 1]} : vector<4096x1024xi32> to vector<4096x512xi32>
    %add3A = arith.constant 32767 : i32
    %add3A_2 = vector.broadcast %add3A : i32 to vector<4096x512xi32>
    %add3A_3 = arith.addi %slice3A, %add3A_2 : vector<4096x512xi32>
    %shift_right_logical3A = arith.constant 16 : i32
    %shift_right_logical3A_4 = vector.broadcast %shift_right_logical3A : i32 to vector<4096x512xi32>
    %shift_right_logical3A_5 = arith.shrui %slice3A, %shift_right_logical3A_4 : vector<4096x512xi32>
    %and3A = arith.constant 1 : i32
    %and3A_6 = vector.broadcast %and3A : i32 to vector<4096x512xi32>
    %and3A_7 = arith.andi %shift_right_logical3A_5, %and3A_6 : vector<4096x512xi32>
    %add3A_8 = arith.addi %add3A_3, %and3A_7 : vector<4096x512xi32>
    %shift_right_logical3A_9 = arith.constant 16 : i32
    %shift_right_logical3A_10 = vector.broadcast %shift_right_logical3A_9 : i32 to vector<4096x512xi32>
    %shift_right_logical3A_11 = arith.shrui %add3A_8, %shift_right_logical3A_10 : vector<4096x512xi32>
    %and3A_12 = arith.constant 65535 : i32
    %and3A_13 = vector.broadcast %and3A_12 : i32 to vector<4096x512xi32>
    %and3A_14 = arith.andi %shift_right_logical3A_11, %and3A_13 : vector<4096x512xi32>
    %slice3A_15 = vector.extract_strided_slice %bitcast_convert_type3A {offsets = [0, 512], sizes = [4096, 512], strides = [1, 1]} : vector<4096x1024xi32> to vector<4096x512xi32>
    %add3A_16 = arith.constant 32767 : i32
    %add3A_17 = vector.broadcast %add3A_16 : i32 to vector<4096x512xi32>
    %add3A_18 = arith.addi %slice3A_15, %add3A_17 : vector<4096x512xi32>
    %shift_right_logical3A_19 = arith.constant 16 : i32
    %shift_right_logical3A_20 = vector.broadcast %shift_right_logical3A_19 : i32 to vector<4096x512xi32>
    %shift_right_logical3A_21 = arith.shrui %slice3A_15, %shift_right_logical3A_20 : vector<4096x512xi32>
    %and3A_22 = arith.constant 1 : i32
    %and3A_23 = vector.broadcast %and3A_22 : i32 to vector<4096x512xi32>
    %and3A_24 = arith.andi %shift_right_logical3A_21, %and3A_23 : vector<4096x512xi32>
    %add3A_25 = arith.addi %add3A_18, %and3A_24 : vector<4096x512xi32>
    %shift_right_logical3A_26 = arith.constant 16 : i32
    %shift_right_logical3A_27 = vector.broadcast %shift_right_logical3A_26 : i32 to vector<4096x512xi32>
    %shift_right_logical3A_28 = arith.shrui %add3A_25, %shift_right_logical3A_27 : vector<4096x512xi32>
    %shift_left3A = arith.constant 16 : i32
    %shift_left3A_29 = vector.broadcast %shift_left3A : i32 to vector<4096x512xi32>
    %shift_left3A_30 = arith.shli %shift_right_logical3A_28, %shift_left3A_29 : vector<4096x512xi32>
    %or3A = arith.ori %and3A_14, %shift_left3A_30 : vector<4096x512xi32>
    %bitcast_convert_type3A_31 = tpu.bitcast %or3A : vector<4096x512xi32> -> vector<4096x512xi32>
    %swap3A = arith.constant 0 : index
    %swap3A_32 = arith.constant 0 : index
    %swap3A_33 = vector.load %arg6[%swap3A, %swap3A_32] : memref<4096x512xi32, #tpu.memory_space<vmem>>, vector<4096x512xi32>
    tpu.vector_store %arg6[%swap3A, %swap3A_32], %bitcast_convert_type3A_31 {strides = array<i32>} : memref<4096x512xi32, #tpu.memory_space<vmem>>, vector<4096x512xi32>,
    %get3A_34 = arith.constant 0 : index
    %get3A_35 = arith.constant 0 : index
    %get3A_36 = vector.load %arg1[%get3A_34, %get3A_35] : memref<8x1024xf32, #tpu.memory_space<vmem>>, vector<8x1024xf32>
    %transpose3A = tpu.transpose %get3A_36, [1, 0] : vector<8x1024xf32> -> vector<1024x8xf32>
    %dot_general3A = arith.constant dense<0.000000e+00> : vector<4096x8xf32>
    %dot_general3A_37 = tpu.matmul %get3A_1, %transpose3A, %dot_general3A {dimension_numbers = #tpu.dot_dimension_numbers<[1], [0], [0], [1], [0, 0, 1, 1], [], []>, transpose_lhs_hint = false} : vector<4096x1024xf32>, vector<1024x8xf32>, vector<4096x8xf32> -> vector<4096x8xf32>
    %get3A_38 = arith.constant 0 : index
    %get3A_39 = arith.constant 0 : index
    %get3A_40 = vector.load %arg2[%get3A_38, %get3A_39] : memref<1x8xf32, #tpu.memory_space<vmem>>, vector<1x8xf32>
    %add3A_41 = vector.broadcast %get3A_40 : vector<1x8xf32> to vector<4096x8xf32>
    %add3A_42 = arith.addf %dot_general3A_37, %add3A_41 : vector<4096x8xf32>
    %reduce_max3A = arith.constant dense<0xFF800000> : vector<4096xf32>
    %reduce_max3A_43 = vector.multi_reduction <maximumf>, %add3A_42, %reduce_max3A [1] : vector<4096x8xf32> to vector<4096xf32>
    %max3A = arith.constant 0xFF800000 : f32
    %max3A_44 = vector.broadcast %max3A : f32 to vector<4096xf32>
    %max3A_45 = arith.maximumf %max3A_44, %reduce_max3A_43 : vector<4096xf32>
    %broadcast_in_dim3A = vector.shape_cast %max3A_45 : vector<4096xf32> to vector<4096x1xf32>
    %sub3A = vector.broadcast %broadcast_in_dim3A : vector<4096x1xf32> to vector<4096x8xf32>
    %sub3A_46 = arith.subf %add3A_42, %sub3A : vector<4096x8xf32>
    %exp3A = math.exp %sub3A_46 : vector<4096x8xf32>
    %reduce_sum3A = arith.constant dense<0.000000e+00> : vector<4096xf32>
    %reduce_sum3A_47 = vector.multi_reduction <add>, %exp3A, %reduce_sum3A [1] : vector<4096x8xf32> to vector<4096xf32>
    %broadcast_in_dim3A_48 = vector.shape_cast %reduce_sum3A_47 : vector<4096xf32> to vector<4096x1xf32>
    %div3A = vector.broadcast %broadcast_in_dim3A_48 : vector<4096x1xf32> to vector<4096x8xf32>
    %div3A_49 = arith.divf %exp3A, %div3A : vector<4096x8xf32>
    %reduce_max3A_50 = arith.constant dense<0xFF800000> : vector<4096xf32>
    %reduce_max3A_51 = vector.multi_reduction <maximumf>, %div3A_49, %reduce_max3A_50 [1] : vector<4096x8xf32> to vector<4096xf32>
    %broadcast_in_dim3A_52 = vector.shape_cast %reduce_max3A_51 : vector<4096xf32> to vector<4096x1xf32>
    %argmax3A = tpu.reduce_index %div3A_49 {axis = 1 : i32, kind = #tpu.reduction_kind<arg_max>} : vector<4096x8xf32> -> vector<4096xi32>
    %reshape3A = vector.shape_cast %argmax3A : vector<4096xi32> to vector<4096x1xi32>
    %iota3A = tpu.iota {dimensions = array<i32: 1>} : vector<4096x8xi32>
    %eq3A = vector.broadcast %reshape3A : vector<4096x1xi32> to vector<4096x8xi32>
    %eq3A_53 = arith.cmpi eq, %iota3A, %eq3A : vector<4096x8xi32>
    %jit3A = arith.constant 0xFF800000 : f32
    %broadcast_in_dim3A_54 = vector.broadcast %jit3A : f32 to vector<4096x8xf32>
    %select_n3A = arith.select %eq3A_53, %broadcast_in_dim3A_54, %div3A_49 : vector<4096x8xi1>, vector<4096x8xf32>
    %reduce_max3A_55 = arith.constant dense<0xFF800000> : vector<4096xf32>
    %reduce_max3A_56 = vector.multi_reduction <maximumf>, %select_n3A, %reduce_max3A_55 [1] : vector<4096x8xf32> to vector<4096xf32>
    %broadcast_in_dim3A_57 = vector.shape_cast %reduce_max3A_56 : vector<4096xf32> to vector<4096x1xf32>
    %argmax3A_58 = tpu.reduce_index %select_n3A {axis = 1 : i32, kind = #tpu.reduction_kind<arg_max>} : vector<4096x8xf32> -> vector<4096xi32>
    %reshape3A_59 = vector.shape_cast %argmax3A_58 : vector<4096xi32> to vector<4096x1xi32>
    %add3A_60 = arith.addf %broadcast_in_dim3A_52, %broadcast_in_dim3A_57 : vector<4096x1xf32>
    %div3A_61 = arith.divf %broadcast_in_dim3A_52, %add3A_60 : vector<4096x1xf32>
    %div3A_62 = arith.divf %broadcast_in_dim3A_57, %add3A_60 : vector<4096x1xf32>
    %eq3A_63 = vector.broadcast %reshape3A : vector<4096x1xi32> to vector<4096x8xi32>
    %eq3A_64 = arith.cmpi eq, %iota3A, %eq3A_63 : vector<4096x8xi32>
    %convert_element_type3A = arith.extui %eq3A_64 : vector<4096x8xi1> to vector<4096x8xi32>
    %eq3A_65 = vector.broadcast %reshape3A_59 : vector<4096x1xi32> to vector<4096x8xi32>
    %eq3A_66 = arith.cmpi eq, %iota3A, %eq3A_65 : vector<4096x8xi32>
    %convert_element_type3A_67 = arith.extui %eq3A_66 : vector<4096x8xi1> to vector<4096x8xi32>
    %shift_left3A_68 = arith.constant 13 : i32
    %shift_left3A_69 = vector.broadcast %shift_left3A_68 : i32 to vector<4096x8xi32>
    %shift_left3A_70 = arith.shli %convert_element_type3A_67, %shift_left3A_69 : vector<4096x8xi32>
    %add3A_71 = arith.addi %convert_element_type3A, %shift_left3A_70 : vector<4096x8xi32>
    %iota3A_72 = tpu.iota {dimensions = array<i32: 0>} : vector<4096x8xi32>
    %roll3A = arith.constant 1 : i32
    %roll3A_73 = tpu.dynamic_rotate %add3A_71 by %roll3A dim 0 : vector<4096x8xi32>, i32 -> vector<4096x8xi32>
    %ge3A = arith.constant 1 : i32
    %ge3A_74 = vector.broadcast %ge3A : i32 to vector<4096x8xi32>
    %ge3A_75 = arith.cmpi sge, %iota3A_72, %ge3A_74 : vector<4096x8xi32>
    %broadcast_in_dim3A_76 = arith.constant 0 : i32
    %broadcast_in_dim3A_77 = vector.broadcast %broadcast_in_dim3A_76 : i32 to vector<4096x8xi32>
    %select_n3A_78 = arith.select %ge3A_75, %roll3A_73, %broadcast_in_dim3A_77 : vector<4096x8xi1>, vector<4096x8xi32>
    %add3A_79 = arith.addi %add3A_71, %select_n3A_78 : vector<4096x8xi32>
    %roll3A_80 = arith.constant 2 : i32
    %roll3A_81 = tpu.dynamic_rotate %add3A_79 by %roll3A_80 dim 0 : vector<4096x8xi32>, i32 -> vector<4096x8xi32>
    %ge3A_82 = arith.constant 2 : i32
    %ge3A_83 = vector.broadcast %ge3A_82 : i32 to vector<4096x8xi32>
    %ge3A_84 = arith.cmpi sge, %iota3A_72, %ge3A_83 : vector<4096x8xi32>
    %broadcast_in_dim3A_85 = arith.constant 0 : i32
    %broadcast_in_dim3A_86 = vector.broadcast %broadcast_in_dim3A_85 : i32 to vector<4096x8xi32>
    %select_n3A_87 = arith.select %ge3A_84, %roll3A_81, %broadcast_in_dim3A_86 : vector<4096x8xi1>, vector<4096x8xi32>
    %add3A_88 = arith.addi %add3A_79, %select_n3A_87 : vector<4096x8xi32>
    %roll3A_89 = arith.constant 4 : i32
    %roll3A_90 = tpu.dynamic_rotate %add3A_88 by %roll3A_89 dim 0 : vector<4096x8xi32>, i32 -> vector<4096x8xi32>
    %ge3A_91 = arith.constant 4 : i32
    %ge3A_92 = vector.broadcast %ge3A_91 : i32 to vector<4096x8xi32>
    %ge3A_93 = arith.cmpi sge, %iota3A_72, %ge3A_92 : vector<4096x8xi32>
    %broadcast_in_dim3A_94 = arith.constant 0 : i32
    %broadcast_in_dim3A_95 = vector.broadcast %broadcast_in_dim3A_94 : i32 to vector<4096x8xi32>
    %select_n3A_96 = arith.select %ge3A_93, %roll3A_90, %broadcast_in_dim3A_95 : vector<4096x8xi1>, vector<4096x8xi32>
    %add3A_97 = arith.addi %add3A_88, %select_n3A_96 : vector<4096x8xi32>
    %roll3A_98 = arith.constant 8 : i32
    %roll3A_99 = tpu.dynamic_rotate %add3A_97 by %roll3A_98 dim 0 : vector<4096x8xi32>, i32 -> vector<4096x8xi32>
    %ge3A_100 = arith.constant 8 : i32
    %ge3A_101 = vector.broadcast %ge3A_100 : i32 to vector<4096x8xi32>
    %ge3A_102 = arith.cmpi sge, %iota3A_72, %ge3A_101 : vector<4096x8xi32>
    %broadcast_in_dim3A_103 = arith.constant 0 : i32
    %broadcast_in_dim3A_104 = vector.broadcast %broadcast_in_dim3A_103 : i32 to vector<4096x8xi32>
    %select_n3A_105 = arith.select %ge3A_102, %roll3A_99, %broadcast_in_dim3A_104 : vector<4096x8xi1>, vector<4096x8xi32>
    %add3A_106 = arith.addi %add3A_97, %select_n3A_105 : vector<4096x8xi32>
    %roll3A_107 = arith.constant 16 : i32
    %roll3A_108 = tpu.dynamic_rotate %add3A_106 by %roll3A_107 dim 0 : vector<4096x8xi32>, i32 -> vector<4096x8xi32>
    %ge3A_109 = arith.constant 16 : i32
    %ge3A_110 = vector.broadcast %ge3A_109 : i32 to vector<4096x8xi32>
    %ge3A_111 = arith.cmpi sge, %iota3A_72, %ge3A_110 : vector<4096x8xi32>
    %broadcast_in_dim3A_112 = arith.constant 0 : i32
    %broadcast_in_dim3A_113 = vector.broadcast %broadcast_in_dim3A_112 : i32 to vector<4096x8xi32>
    %select_n3A_114 = arith.select %ge3A_111, %roll3A_108, %broadcast_in_dim3A_113 : vector<4096x8xi1>, vector<4096x8xi32>
    %add3A_115 = arith.addi %add3A_106, %select_n3A_114 : vector<4096x8xi32>
    %roll3A_116 = arith.constant 32 : i32
    %roll3A_117 = tpu.dynamic_rotate %add3A_115 by %roll3A_116 dim 0 : vector<4096x8xi32>, i32 -> vector<4096x8xi32>
    %ge3A_118 = arith.constant 32 : i32
    %ge3A_119 = vector.broadcast %ge3A_118 : i32 to vector<4096x8xi32>
    %ge3A_120 = arith.cmpi sge, %iota3A_72, %ge3A_119 : vector<4096x8xi32>
    %broadcast_in_dim3A_121 = arith.constant 0 : i32
    %broadcast_in_dim3A_122 = vector.broadcast %broadcast_in_dim3A_121 : i32 to vector<4096x8xi32>
    %select_n3A_123 = arith.select %ge3A_120, %roll3A_117, %broadcast_in_dim3A_122 : vector<4096x8xi1>, vector<4096x8xi32>
    %add3A_124 = arith.addi %add3A_115, %select_n3A_123 : vector<4096x8xi32>
    %roll3A_125 = arith.constant 64 : i32
    %roll3A_126 = tpu.dynamic_rotate %add3A_124 by %roll3A_125 dim 0 : vector<4096x8xi32>, i32 -> vector<4096x8xi32>
    %ge3A_127 = arith.constant 64 : i32
    %ge3A_128 = vector.broadcast %ge3A_127 : i32 to vector<4096x8xi32>
    %ge3A_129 = arith.cmpi sge, %iota3A_72, %ge3A_128 : vector<4096x8xi32>
    %broadcast_in_dim3A_130 = arith.constant 0 : i32
    %broadcast_in_dim3A_131 = vector.broadcast %broadcast_in_dim3A_130 : i32 to vector<4096x8xi32>
    %select_n3A_132 = arith.select %ge3A_129, %roll3A_126, %broadcast_in_dim3A_131 : vector<4096x8xi1>, vector<4096x8xi32>
    %add3A_133 = arith.addi %add3A_124, %select_n3A_132 : vector<4096x8xi32>
    %roll3A_134 = arith.constant 128 : i32
    %roll3A_135 = tpu.dynamic_rotate %add3A_133 by %roll3A_134 dim 0 : vector<4096x8xi32>, i32 -> vector<4096x8xi32>
    %ge3A_136 = arith.constant 128 : i32
    %ge3A_137 = vector.broadcast %ge3A_136 : i32 to vector<4096x8xi32>
    %ge3A_138 = arith.cmpi sge, %iota3A_72, %ge3A_137 : vector<4096x8xi32>
    %broadcast_in_dim3A_139 = arith.constant 0 : i32
    %broadcast_in_dim3A_140 = vector.broadcast %broadcast_in_dim3A_139 : i32 to vector<4096x8xi32>
    %select_n3A_141 = arith.select %ge3A_138, %roll3A_135, %broadcast_in_dim3A_140 : vector<4096x8xi1>, vector<4096x8xi32>
    %add3A_142 = arith.addi %add3A_133, %select_n3A_141 : vector<4096x8xi32>
    %roll3A_143 = arith.constant 256 : i32
    %roll3A_144 = tpu.dynamic_rotate %add3A_142 by %roll3A_143 dim 0 : vector<4096x8xi32>, i32 -> vector<4096x8xi32>
    %ge3A_145 = arith.constant 256 : i32
    %ge3A_146 = vector.broadcast %ge3A_145 : i32 to vector<4096x8xi32>
    %ge3A_147 = arith.cmpi sge, %iota3A_72, %ge3A_146 : vector<4096x8xi32>
    %broadcast_in_dim3A_148 = arith.constant 0 : i32
    %broadcast_in_dim3A_149 = vector.broadcast %broadcast_in_dim3A_148 : i32 to vector<4096x8xi32>
    %select_n3A_150 = arith.select %ge3A_147, %roll3A_144, %broadcast_in_dim3A_149 : vector<4096x8xi1>, vector<4096x8xi32>
    %add3A_151 = arith.addi %add3A_142, %select_n3A_150 : vector<4096x8xi32>
    %roll3A_152 = arith.constant 512 : i32
    %roll3A_153 = tpu.dynamic_rotate %add3A_151 by %roll3A_152 dim 0 : vector<4096x8xi32>, i32 -> vector<4096x8xi32>
    %ge3A_154 = arith.constant 512 : i32
    %ge3A_155 = vector.broadcast %ge3A_154 : i32 to vector<4096x8xi32>
    %ge3A_156 = arith.cmpi sge, %iota3A_72, %ge3A_155 : vector<4096x8xi32>
    %broadcast_in_dim3A_157 = arith.constant 0 : i32
    %broadcast_in_dim3A_158 = vector.broadcast %broadcast_in_dim3A_157 : i32 to vector<4096x8xi32>
    %select_n3A_159 = arith.select %ge3A_156, %roll3A_153, %broadcast_in_dim3A_158 : vector<4096x8xi1>, vector<4096x8xi32>
    %add3A_160 = arith.addi %add3A_151, %select_n3A_159 : vector<4096x8xi32>
    %roll3A_161 = arith.constant 1024 : i32
    %roll3A_162 = tpu.dynamic_rotate %add3A_160 by %roll3A_161 dim 0 : vector<4096x8xi32>, i32 -> vector<4096x8xi32>
    %ge3A_163 = arith.constant 1024 : i32
    %ge3A_164 = vector.broadcast %ge3A_163 : i32 to vector<4096x8xi32>
    %ge3A_165 = arith.cmpi sge, %iota3A_72, %ge3A_164 : vector<4096x8xi32>
    %broadcast_in_dim3A_166 = arith.constant 0 : i32
    %broadcast_in_dim3A_167 = vector.broadcast %broadcast_in_dim3A_166 : i32 to vector<4096x8xi32>
    %select_n3A_168 = arith.select %ge3A_165, %roll3A_162, %broadcast_in_dim3A_167 : vector<4096x8xi1>, vector<4096x8xi32>
    %add3A_169 = arith.addi %add3A_160, %select_n3A_168 : vector<4096x8xi32>
    %roll3A_170 = arith.constant 2048 : i32
    %roll3A_171 = tpu.dynamic_rotate %add3A_169 by %roll3A_170 dim 0 : vector<4096x8xi32>, i32 -> vector<4096x8xi32>
    %ge3A_172 = arith.constant 2048 : i32
    %ge3A_173 = vector.broadcast %ge3A_172 : i32 to vector<4096x8xi32>
    %ge3A_174 = arith.cmpi sge, %iota3A_72, %ge3A_173 : vector<4096x8xi32>
    %broadcast_in_dim3A_175 = arith.constant 0 : i32
    %broadcast_in_dim3A_176 = vector.broadcast %broadcast_in_dim3A_175 : i32 to vector<4096x8xi32>
    %select_n3A_177 = arith.select %ge3A_174, %roll3A_171, %broadcast_in_dim3A_176 : vector<4096x8xi1>, vector<4096x8xi32>
    %add3A_178 = arith.addi %add3A_169, %select_n3A_177 : vector<4096x8xi32>
    %and3A_179 = arith.constant 8191 : i32
    %and3A_180 = vector.broadcast %and3A_179 : i32 to vector<4096x8xi32>
    %and3A_181 = arith.andi %add3A_178, %and3A_180 : vector<4096x8xi32>
    %shift_right_arithmetic3A = arith.constant 13 : i32
    %shift_right_arithmetic3A_182 = vector.broadcast %shift_right_arithmetic3A : i32 to vector<4096x8xi32>
    %shift_right_arithmetic3A_183 = arith.shrsi %add3A_178, %shift_right_arithmetic3A_182 : vector<4096x8xi32>
    %slice3A_184 = vector.extract_strided_slice %and3A_181 {offsets = [4095, 0], sizes = [1, 8], strides = [1, 1]} : vector<4096x8xi32> to vector<1x8xi32>
    %slice3A_185 = vector.extract_strided_slice %shift_right_arithmetic3A_183 {offsets = [4095, 0], sizes = [1, 8], strides = [1, 1]} : vector<4096x8xi32> to vector<1x8xi32>
    %add3A_186 = arith.addi %slice3A_184, %slice3A_185 : vector<1x8xi32>
    %add3A_187 = arith.constant 255 : i32
    %add3A_188 = vector.broadcast %add3A_187 : i32 to vector<1x8xi32>
    %add3A_189 = arith.addi %add3A_186, %add3A_188 : vector<1x8xi32>
    %and3A_190 = arith.constant -256 : i32
    %and3A_191 = vector.broadcast %and3A_190 : i32 to vector<1x8xi32>
    %and3A_192 = arith.andi %add3A_189, %and3A_191 : vector<1x8xi32>
    %convert_element_type3A_193 = arith.sitofp %and3A_192 : vector<1x8xi32> to vector<1x8xf32>
    %iota3A_194 = tpu.iota {dimensions = array<i32: 0>} : vector<8x8xi32>
    %iota3A_195 = tpu.iota {dimensions = array<i32: 1>} : vector<8x8xi32>
    %lt3A = arith.cmpi slt, %iota3A_194, %iota3A_195 : vector<8x8xi32>
    %convert_element_type3A_196 = arith.extui %lt3A : vector<8x8xi1> to vector<8x8xi32>
    %convert_element_type3A_197 = arith.sitofp %convert_element_type3A_196 : vector<8x8xi32> to vector<8x8xf32>
    %dot_general3A_198 = arith.constant dense<0.000000e+00> : vector<1x8xf32>
    %dot_general3A_199 = tpu.matmul %convert_element_type3A_193, %convert_element_type3A_197, %dot_general3A_198 {dimension_numbers = #tpu.dot_dimension_numbers<[1], [0], [0], [1], [0, 0, 1, 1], [], []>, transpose_lhs_hint = false} : vector<1x8xf32>, vector<8x8xf32>, vector<1x8xf32> -> vector<1x8xf32>
    %convert_element_type3A_200 = arith.fptosi %dot_general3A_199 : vector<1x8xf32> to vector<1x8xi32>
    %mul3A = arith.muli %convert_element_type3A, %and3A_181 : vector<4096x8xi32>
    %reduce_sum3A_201 = arith.constant dense<0> : vector<4096xi32>
    %reduce_sum3A_202 = vector.multi_reduction <add>, %mul3A, %reduce_sum3A_201 [1] : vector<4096x8xi32> to vector<4096xi32>
    %broadcast_in_dim3A_203 = vector.shape_cast %reduce_sum3A_202 : vector<4096xi32> to vector<4096x1xi32>
    %sub3A_204 = arith.constant 1 : i32
    %sub3A_205 = vector.broadcast %sub3A_204 : i32 to vector<4096x1xi32>
    %sub3A_206 = arith.subi %broadcast_in_dim3A_203, %sub3A_205 : vector<4096x1xi32>
    %add3A_207 = vector.broadcast %slice3A_184 : vector<1x8xi32> to vector<4096x8xi32>
    %add3A_208 = arith.addi %shift_right_arithmetic3A_183, %add3A_207 : vector<4096x8xi32>
    %mul3A_209 = arith.muli %convert_element_type3A_67, %add3A_208 : vector<4096x8xi32>
    %reduce_sum3A_210 = arith.constant dense<0> : vector<4096xi32>
    %reduce_sum3A_211 = vector.multi_reduction <add>, %mul3A_209, %reduce_sum3A_210 [1] : vector<4096x8xi32> to vector<4096xi32>
    %broadcast_in_dim3A_212 = vector.shape_cast %reduce_sum3A_211 : vector<4096xi32> to vector<4096x1xi32>
    %sub3A_213 = arith.constant 1 : i32
    %sub3A_214 = vector.broadcast %sub3A_213 : i32 to vector<4096x1xi32>
    %sub3A_215 = arith.subi %broadcast_in_dim3A_212, %sub3A_214 : vector<4096x1xi32>
    %mul3A_216 = vector.broadcast %convert_element_type3A_200 : vector<1x8xi32> to vector<4096x8xi32>
    %mul3A_217 = arith.muli %convert_element_type3A, %mul3A_216 : vector<4096x8xi32>
    %reduce_sum3A_218 = arith.constant dense<0> : vector<4096xi32>
    %reduce_sum3A_219 = vector.multi_reduction <add>, %mul3A_217, %reduce_sum3A_218 [1] : vector<4096x8xi32> to vector<4096xi32>
    %broadcast_in_dim3A_220 = vector.shape_cast %reduce_sum3A_219 : vector<4096xi32> to vector<4096x1xi32>
    %mul3A_221 = vector.broadcast %convert_element_type3A_200 : vector<1x8xi32> to vector<4096x8xi32>
    %mul3A_222 = arith.muli %convert_element_type3A_67, %mul3A_221 : vector<4096x8xi32>
    %reduce_sum3A_223 = arith.constant dense<0> : vector<4096xi32>
    %reduce_sum3A_224 = vector.multi_reduction <add>, %mul3A_222, %reduce_sum3A_223 [1] : vector<4096x8xi32> to vector<4096xi32>
    %broadcast_in_dim3A_225 = vector.shape_cast %reduce_sum3A_224 : vector<4096xi32> to vector<4096x1xi32>
    %add3A_226 = arith.addi %broadcast_in_dim3A_220, %sub3A_206 : vector<4096x1xi32>
    %add3A_227 = arith.addi %broadcast_in_dim3A_225, %sub3A_215 : vector<4096x1xi32>
    %iota3A_228 = tpu.iota {dimensions = array<i32: 1>} : vector<4096x128xi32>
    %eq3A_229 = arith.constant 0 : i32
    %eq3A_230 = vector.broadcast %eq3A_229 : i32 to vector<4096x128xi32>
    %eq3A_231 = arith.cmpi eq, %iota3A_228, %eq3A_230 : vector<4096x128xi32>
    %eq3A_232 = arith.constant 1 : i32
    %eq3A_233 = vector.broadcast %eq3A_232 : i32 to vector<4096x128xi32>
    %eq3A_234 = arith.cmpi eq, %iota3A_228, %eq3A_233 : vector<4096x128xi32>
    %jit3A_235 = arith.constant 0 : i32
    %broadcast_in_dim3A_236 = vector.shape_cast %add3A_227 : vector<4096x1xi32> to vector<4096x1xi32>
    %broadcast_in_dim3A_237 = vector.broadcast %broadcast_in_dim3A_236 : vector<4096x1xi32> to vector<4096x128xi32>
    %broadcast_in_dim3A_238 = vector.broadcast %jit3A_235 : i32 to vector<4096x128xi32>
    %select_n3A_239 = arith.select %eq3A_234, %broadcast_in_dim3A_237, %broadcast_in_dim3A_238 : vector<4096x128xi1>, vector<4096x128xi32>
    %broadcast_in_dim3A_240 = vector.shape_cast %add3A_226 : vector<4096x1xi32> to vector<4096x1xi32>
    %broadcast_in_dim3A_241 = vector.broadcast %broadcast_in_dim3A_240 : vector<4096x1xi32> to vector<4096x128xi32>
    %select_n3A_242 = arith.select %eq3A_231, %broadcast_in_dim3A_241, %select_n3A_239 : vector<4096x128xi1>, vector<4096x128xi32>
    %swap3A_243 = arith.constant 0 : index
    %swap3A_244 = arith.constant 0 : index
    %swap3A_245 = vector.load %arg3[%swap3A_243, %swap3A_244] : memref<4096x128xi32, #tpu.memory_space<vmem>>, vector<4096x128xi32>
    tpu.vector_store %arg3[%swap3A_243, %swap3A_244], %select_n3A_242 {strides = array<i32>} : memref<4096x128xi32, #tpu.memory_space<vmem>>, vector<4096x128xi32>,
    %eq3A_246 = arith.constant 0 : i32
    %eq3A_247 = vector.broadcast %eq3A_246 : i32 to vector<4096x128xi32>
    %eq3A_248 = arith.cmpi eq, %iota3A_228, %eq3A_247 : vector<4096x128xi32>
    %eq3A_249 = arith.constant 1 : i32
    %eq3A_250 = vector.broadcast %eq3A_249 : i32 to vector<4096x128xi32>
    %eq3A_251 = arith.cmpi eq, %iota3A_228, %eq3A_250 : vector<4096x128xi32>
    %jit3A_252 = arith.constant 0.000000e+00 : f32
    %broadcast_in_dim3A_253 = vector.shape_cast %div3A_62 : vector<4096x1xf32> to vector<4096x1xf32>
    %broadcast_in_dim3A_254 = vector.broadcast %broadcast_in_dim3A_253 : vector<4096x1xf32> to vector<4096x128xf32>
    %broadcast_in_dim3A_255 = vector.broadcast %jit3A_252 : f32 to vector<4096x128xf32>
    %select_n3A_256 = arith.select %eq3A_251, %broadcast_in_dim3A_254, %broadcast_in_dim3A_255 : vector<4096x128xi1>, vector<4096x128xf32>
    %broadcast_in_dim3A_257 = vector.shape_cast %div3A_61 : vector<4096x1xf32> to vector<4096x1xf32>
    %broadcast_in_dim3A_258 = vector.broadcast %broadcast_in_dim3A_257 : vector<4096x1xf32> to vector<4096x128xf32>
    %select_n3A_259 = arith.select %eq3A_248, %broadcast_in_dim3A_258, %select_n3A_256 : vector<4096x128xi1>, vector<4096x128xf32>
    %swap3A_260 = arith.constant 0 : index
    %swap3A_261 = arith.constant 0 : index
    %swap3A_262 = vector.load %arg4[%swap3A_260, %swap3A_261] : memref<4096x128xf32, #tpu.memory_space<vmem>>, vector<4096x128xf32>
    tpu.vector_store %arg4[%swap3A_260, %swap3A_261], %select_n3A_259 {strides = array<i32>} : memref<4096x128xf32, #tpu.memory_space<vmem>>, vector<4096x128xf32>,
    %iota3A_263 = tpu.iota {dimensions = array<i32: 0>} : vector<8x128xi32>
    %iota3A_264 = tpu.iota {dimensions = array<i32: 1>} : vector<8x128xi32>
    %eq3A_265 = arith.cmpi eq, %iota3A_263, %iota3A_264 : vector<8x128xi32>
    %convert_element_type3A_266 = arith.extui %eq3A_265 : vector<8x128xi1> to vector<8x128xi32>
    %convert_element_type3A_267 = arith.sitofp %convert_element_type3A_266 : vector<8x128xi32> to vector<8x128xf32>
    %dot_general3A_268 = arith.constant dense<0.000000e+00> : vector<1x128xf32>
    %dot_general3A_269 = tpu.matmul %dot_general3A_199, %convert_element_type3A_267, %dot_general3A_268 {dimension_numbers = #tpu.dot_dimension_numbers<[1], [0], [0], [1], [0, 0, 1, 1], [], []>, transpose_lhs_hint = false} : vector<1x8xf32>, vector<8x128xf32>, vector<1x128xf32> -> vector<1x128xf32>
    %convert_element_type3A_270 = arith.fptosi %dot_general3A_269 : vector<1x128xf32> to vector<1x128xi32>
    %swap3A_271 = arith.constant 0 : index
    %swap3A_272 = arith.constant 0 : index
    %swap3A_273 = vector.load %arg5[%swap3A_271, %swap3A_272] : memref<1x128xi32, #tpu.memory_space<vmem>>, vector<1x128xi32>
    tpu.vector_store %arg5[%swap3A_271, %swap3A_272], %convert_element_type3A_270 {strides = array<i32>} : memref<1x128xi32, #tpu.memory_space<vmem>>, vector<1x128xi32>,
    return
  }
}

module attributes {stable_mosaic.version = 14 : i64} {
  func.func @_group_gemm_body(%arg0: i32, %arg1: memref<40xi32, #tpu.memory_space<smem>>, %arg2: memref<256x512xi32, #tpu.memory_space<vmem>>, %arg3: memref<8x512x1024xf32, #tpu.memory_space<vmem>>, %arg4: memref<8x512x1024xf32, #tpu.memory_space<vmem>>, %arg5: memref<8x1024x512xf32, #tpu.memory_space<vmem>>, %arg6: memref<256x512xi32, #tpu.memory_space<vmem>>) attributes {dimension_semantics = [#tpu.dimension_semantics<arbitrary>], iteration_bounds = array<i64: 40>, scalar_prefetch = 1 : i64, scratch_operands = 0 : i64, tpu.core_type = #tpu.core_type<tc>, window_params = [{transform_indices = @transform_0, window_bounds = array<i64: 256, 512>}, {pipeline_mode = #tpu.pipeline_mode<synchronous>, transform_indices = @transform_1, window_bounds = array<i64: 8, 512, 1024>}, {pipeline_mode = #tpu.pipeline_mode<synchronous>, transform_indices = @transform_2, window_bounds = array<i64: 8, 512, 1024>}, {pipeline_mode = #tpu.pipeline_mode<synchronous>, transform_indices = @transform_3, window_bounds = array<i64: 8, 1024, 512>}, {transform_indices = @transform_4, window_bounds = array<i64: 256, 512>}]} {
    %get3A = arith.index_cast %arg0 : i32 to index
    %get3A_0 = memref.load %arg1[%get3A] : memref<40xi32, #tpu.memory_space<smem>>
    %get3A_1 = arith.constant 0 : index
    %get3A_2 = arith.constant 0 : index
    %get3A_3 = vector.load %arg2[%get3A_1, %get3A_2] : memref<256x512xi32, #tpu.memory_space<vmem>>, vector<256x512xi32>
    %bitcast_convert_type3A = tpu.bitcast %get3A_3 : vector<256x512xi32> -> vector<256x512xi32>
    %and3A = arith.constant 65535 : i32
    %and3A_4 = vector.broadcast %and3A : i32 to vector<256x512xi32>
    %and3A_5 = arith.andi %bitcast_convert_type3A, %and3A_4 : vector<256x512xi32>
    %shift_left3A = arith.constant 16 : i32
    %shift_left3A_6 = vector.broadcast %shift_left3A : i32 to vector<256x512xi32>
    %shift_left3A_7 = arith.shli %and3A_5, %shift_left3A_6 : vector<256x512xi32>
    %bitcast_convert_type3A_8 = tpu.bitcast %shift_left3A_7 : vector<256x512xi32> -> vector<256x512xf32>
    %and3A_9 = arith.constant -65536 : i32
    %and3A_10 = vector.broadcast %and3A_9 : i32 to vector<256x512xi32>
    %and3A_11 = arith.andi %bitcast_convert_type3A, %and3A_10 : vector<256x512xi32>
    %bitcast_convert_type3A_12 = tpu.bitcast %and3A_11 : vector<256x512xi32> -> vector<256x512xf32>
    %concatenate3A = tpu.concatenate %bitcast_convert_type3A_8, %bitcast_convert_type3A_12 in 1 : vector<256x512xf32>, vector<256x512xf32> -> vector<256x1024xf32>
    %get3A_13 = arith.index_cast %get3A_0 : i32 to index
    %get3A_14 = arith.constant 0 : index
    %get3A_15 = arith.constant 0 : index
    %get3A_16 = vector.load %arg3[%get3A_13, %get3A_14, %get3A_15] : memref<8x512x1024xf32, #tpu.memory_space<vmem>>, vector<1x512x1024xf32>
    %get3A_17 = vector.shape_cast %get3A_16 : vector<1x512x1024xf32> to vector<512x1024xf32>
    %transpose3A = tpu.transpose %get3A_17, [1, 0] : vector<512x1024xf32> -> vector<1024x512xf32>
    %dot_general3A = arith.constant dense<0.000000e+00> : vector<256x512xf32>
    %dot_general3A_18 = tpu.matmul %concatenate3A, %transpose3A, %dot_general3A {dimension_numbers = #tpu.dot_dimension_numbers<[1], [0], [0], [1], [0, 0, 1, 1], [], []>, transpose_lhs_hint = false} : vector<256x1024xf32>, vector<1024x512xf32>, vector<256x512xf32> -> vector<256x512xf32>
    %get3A_19 = arith.index_cast %get3A_0 : i32 to index
    %get3A_20 = arith.constant 0 : index
    %get3A_21 = arith.constant 0 : index
    %get3A_22 = vector.load %arg4[%get3A_19, %get3A_20, %get3A_21] : memref<8x512x1024xf32, #tpu.memory_space<vmem>>, vector<1x512x1024xf32>
    %get3A_23 = vector.shape_cast %get3A_22 : vector<1x512x1024xf32> to vector<512x1024xf32>
    %transpose3A_24 = tpu.transpose %get3A_23, [1, 0] : vector<512x1024xf32> -> vector<1024x512xf32>
    %dot_general3A_25 = arith.constant dense<0.000000e+00> : vector<256x512xf32>
    %dot_general3A_26 = tpu.matmul %concatenate3A, %transpose3A_24, %dot_general3A_25 {dimension_numbers = #tpu.dot_dimension_numbers<[1], [0], [0], [1], [0, 0, 1, 1], [], []>, transpose_lhs_hint = false} : vector<256x1024xf32>, vector<1024x512xf32>, vector<256x512xf32> -> vector<256x512xf32>
    %logistic3A = arith.negf %dot_general3A_18 : vector<256x512xf32>
    %logistic3A_27 = math.exp %logistic3A : vector<256x512xf32>
    %logistic3A_28 = arith.constant 1.000000e+00 : f32
    %logistic3A_29 = vector.broadcast %logistic3A_28 : f32 to vector<256x512xf32>
    %logistic3A_30 = arith.addf %logistic3A_29, %logistic3A_27 : vector<256x512xf32>
    %logistic3A_31 = arith.divf %logistic3A_29, %logistic3A_30 : vector<256x512xf32>
    %mul3A = arith.mulf %dot_general3A_18, %logistic3A_31 : vector<256x512xf32>
    %mul3A_32 = arith.mulf %mul3A, %dot_general3A_26 : vector<256x512xf32>
    %get3A_33 = arith.index_cast %get3A_0 : i32 to index
    %get3A_34 = arith.constant 0 : index
    %get3A_35 = arith.constant 0 : index
    %get3A_36 = vector.load %arg5[%get3A_33, %get3A_34, %get3A_35] : memref<8x1024x512xf32, #tpu.memory_space<vmem>>, vector<1x1024x512xf32>
    %get3A_37 = vector.shape_cast %get3A_36 : vector<1x1024x512xf32> to vector<1024x512xf32>
    %transpose3A_38 = tpu.transpose %get3A_37, [1, 0] : vector<1024x512xf32> -> vector<512x1024xf32>
    %dot_general3A_39 = arith.constant dense<0.000000e+00> : vector<256x1024xf32>
    %dot_general3A_40 = tpu.matmul %mul3A_32, %transpose3A_38, %dot_general3A_39 {dimension_numbers = #tpu.dot_dimension_numbers<[1], [0], [0], [1], [0, 0, 1, 1], [], []>, transpose_lhs_hint = false} : vector<256x512xf32>, vector<512x1024xf32>, vector<256x1024xf32> -> vector<256x1024xf32>
    %bitcast_convert_type3A_41 = tpu.bitcast %dot_general3A_40 : vector<256x1024xf32> -> vector<256x1024xi32>
    %slice3A = vector.extract_strided_slice %bitcast_convert_type3A_41 {offsets = [0, 0], sizes = [256, 512], strides = [1, 1]} : vector<256x1024xi32> to vector<256x512xi32>
    %add3A = arith.constant 32767 : i32
    %add3A_42 = vector.broadcast %add3A : i32 to vector<256x512xi32>
    %add3A_43 = arith.addi %slice3A, %add3A_42 : vector<256x512xi32>
    %shift_right_logical3A = arith.constant 16 : i32
    %shift_right_logical3A_44 = vector.broadcast %shift_right_logical3A : i32 to vector<256x512xi32>
    %shift_right_logical3A_45 = arith.shrui %slice3A, %shift_right_logical3A_44 : vector<256x512xi32>
    %and3A_46 = arith.constant 1 : i32
    %and3A_47 = vector.broadcast %and3A_46 : i32 to vector<256x512xi32>
    %and3A_48 = arith.andi %shift_right_logical3A_45, %and3A_47 : vector<256x512xi32>
    %add3A_49 = arith.addi %add3A_43, %and3A_48 : vector<256x512xi32>
    %shift_right_logical3A_50 = arith.constant 16 : i32
    %shift_right_logical3A_51 = vector.broadcast %shift_right_logical3A_50 : i32 to vector<256x512xi32>
    %shift_right_logical3A_52 = arith.shrui %add3A_49, %shift_right_logical3A_51 : vector<256x512xi32>
    %and3A_53 = arith.constant 65535 : i32
    %and3A_54 = vector.broadcast %and3A_53 : i32 to vector<256x512xi32>
    %and3A_55 = arith.andi %shift_right_logical3A_52, %and3A_54 : vector<256x512xi32>
    %slice3A_56 = vector.extract_strided_slice %bitcast_convert_type3A_41 {offsets = [0, 512], sizes = [256, 512], strides = [1, 1]} : vector<256x1024xi32> to vector<256x512xi32>
    %add3A_57 = arith.constant 32767 : i32
    %add3A_58 = vector.broadcast %add3A_57 : i32 to vector<256x512xi32>
    %add3A_59 = arith.addi %slice3A_56, %add3A_58 : vector<256x512xi32>
    %shift_right_logical3A_60 = arith.constant 16 : i32
    %shift_right_logical3A_61 = vector.broadcast %shift_right_logical3A_60 : i32 to vector<256x512xi32>
    %shift_right_logical3A_62 = arith.shrui %slice3A_56, %shift_right_logical3A_61 : vector<256x512xi32>
    %and3A_63 = arith.constant 1 : i32
    %and3A_64 = vector.broadcast %and3A_63 : i32 to vector<256x512xi32>
    %and3A_65 = arith.andi %shift_right_logical3A_62, %and3A_64 : vector<256x512xi32>
    %add3A_66 = arith.addi %add3A_59, %and3A_65 : vector<256x512xi32>
    %shift_right_logical3A_67 = arith.constant 16 : i32
    %shift_right_logical3A_68 = vector.broadcast %shift_right_logical3A_67 : i32 to vector<256x512xi32>
    %shift_right_logical3A_69 = arith.shrui %add3A_66, %shift_right_logical3A_68 : vector<256x512xi32>
    %shift_left3A_70 = arith.constant 16 : i32
    %shift_left3A_71 = vector.broadcast %shift_left3A_70 : i32 to vector<256x512xi32>
    %shift_left3A_72 = arith.shli %shift_right_logical3A_69, %shift_left3A_71 : vector<256x512xi32>
    %or3A = arith.ori %and3A_55, %shift_left3A_72 : vector<256x512xi32>
    %bitcast_convert_type3A_73 = tpu.bitcast %or3A : vector<256x512xi32> -> vector<256x512xi32>
    %swap3A = arith.constant 0 : index
    %swap3A_74 = arith.constant 0 : index
    %swap3A_75 = vector.load %arg6[%swap3A, %swap3A_74] : memref<256x512xi32, #tpu.memory_space<vmem>>, vector<256x512xi32>
    tpu.vector_store %arg6[%swap3A, %swap3A_74], %bitcast_convert_type3A_73 {strides = array<i32>} : memref<256x512xi32, #tpu.memory_space<vmem>>, vector<256x512xi32>,
    return
  }
  func.func @transform_0(%arg0: i32, %arg1: memref<40xi32, #tpu.memory_space<smem>>) -> (i32, i32) {
    %c0_i32 = arith.constant 0 : i32
    %c0_i32_0 = arith.constant 0 : i32
    return %arg0, %c0_i32 : i32, i32
  }
  func.func @transform_1(%arg0: i32, %arg1: memref<40xi32, #tpu.memory_space<smem>>) -> (i32, i32, i32) {
    %c0_i32 = arith.constant 0 : i32
    %c0_i32_0 = arith.constant 0 : i32
    %c0_i32_1 = arith.constant 0 : i32
    %c0_i32_2 = arith.constant 0 : i32
    return %c0_i32, %c0_i32_0, %c0_i32_1 : i32, i32, i32
  }
  func.func @transform_2(%arg0: i32, %arg1: memref<40xi32, #tpu.memory_space<smem>>) -> (i32, i32, i32) {
    %c0_i32 = arith.constant 0 : i32
    %c0_i32_0 = arith.constant 0 : i32
    %c0_i32_1 = arith.constant 0 : i32
    %c0_i32_2 = arith.constant 0 : i32
    return %c0_i32, %c0_i32_0, %c0_i32_1 : i32, i32, i32
  }
  func.func @transform_3(%arg0: i32, %arg1: memref<40xi32, #tpu.memory_space<smem>>) -> (i32, i32, i32) {
    %c0_i32 = arith.constant 0 : i32
    %c0_i32_0 = arith.constant 0 : i32
    %c0_i32_1 = arith.constant 0 : i32
    %c0_i32_2 = arith.constant 0 : i32
    return %c0_i32, %c0_i32_0, %c0_i32_1 : i32, i32, i32
  }
  func.func @transform_4(%arg0: i32, %arg1: memref<40xi32, #tpu.memory_space<smem>>) -> (i32, i32) {
    %c0_i32 = arith.constant 0 : i32
    %c0_i32_0 = arith.constant 0 : i32
    return %arg0, %c0_i32 : i32, i32
  }
}

module attributes {stable_mosaic.version = 14 : i64} {
  func.func @_shared_body(%arg0: i32, %arg1: memref<1024x1024xf32, #tpu.memory_space<vmem>>, %arg2: memref<1024x1024xf32, #tpu.memory_space<vmem>>, %arg3: memref<1024x1024xf32, #tpu.memory_space<vmem>>, %arg4: memref<1024x1024xf32, #tpu.memory_space<vmem>>, %arg5: memref<1024x1024xf32, #tpu.memory_space<vmem>>) attributes {dimension_semantics = [#tpu.dimension_semantics<parallel>], iteration_bounds = array<i64: 4>, scalar_prefetch = 0 : i64, scratch_operands = 0 : i64, tpu.core_type = #tpu.core_type<tc>, window_params = [{transform_indices = @transform_0, window_bounds = array<i64: 1024, 1024>}, {pipeline_mode = #tpu.pipeline_mode<synchronous>, transform_indices = @transform_1, window_bounds = array<i64: 1024, 1024>}, {pipeline_mode = #tpu.pipeline_mode<synchronous>, transform_indices = @transform_2, window_bounds = array<i64: 1024, 1024>}, {pipeline_mode = #tpu.pipeline_mode<synchronous>, transform_indices = @transform_3, window_bounds = array<i64: 1024, 1024>}, {transform_indices = @transform_4, window_bounds = array<i64: 1024, 1024>}]} {
    %get3A = arith.constant 0 : index
    %get3A_0 = arith.constant 0 : index
    %get3A_1 = vector.load %arg1[%get3A, %get3A_0] : memref<1024x1024xf32, #tpu.memory_space<vmem>>, vector<1024x1024xf32>
    %get3A_2 = arith.constant 0 : index
    %get3A_3 = arith.constant 0 : index
    %get3A_4 = vector.load %arg2[%get3A_2, %get3A_3] : memref<1024x1024xf32, #tpu.memory_space<vmem>>, vector<1024x1024xf32>
    %transpose3A = tpu.transpose %get3A_4, [1, 0] : vector<1024x1024xf32> -> vector<1024x1024xf32>
    %dot_general3A = arith.constant dense<0.000000e+00> : vector<1024x1024xf32>
    %dot_general3A_5 = tpu.matmul %get3A_1, %transpose3A, %dot_general3A {dimension_numbers = #tpu.dot_dimension_numbers<[1], [0], [0], [1], [0, 0, 1, 1], [], []>, transpose_lhs_hint = false} : vector<1024x1024xf32>, vector<1024x1024xf32>, vector<1024x1024xf32> -> vector<1024x1024xf32>
    %get3A_6 = arith.constant 0 : index
    %get3A_7 = arith.constant 0 : index
    %get3A_8 = vector.load %arg3[%get3A_6, %get3A_7] : memref<1024x1024xf32, #tpu.memory_space<vmem>>, vector<1024x1024xf32>
    %transpose3A_9 = tpu.transpose %get3A_8, [1, 0] : vector<1024x1024xf32> -> vector<1024x1024xf32>
    %dot_general3A_10 = arith.constant dense<0.000000e+00> : vector<1024x1024xf32>
    %dot_general3A_11 = tpu.matmul %get3A_1, %transpose3A_9, %dot_general3A_10 {dimension_numbers = #tpu.dot_dimension_numbers<[1], [0], [0], [1], [0, 0, 1, 1], [], []>, transpose_lhs_hint = false} : vector<1024x1024xf32>, vector<1024x1024xf32>, vector<1024x1024xf32> -> vector<1024x1024xf32>
    %logistic3A = arith.negf %dot_general3A_5 : vector<1024x1024xf32>
    %logistic3A_12 = math.exp %logistic3A : vector<1024x1024xf32>
    %logistic3A_13 = arith.constant 1.000000e+00 : f32
    %logistic3A_14 = vector.broadcast %logistic3A_13 : f32 to vector<1024x1024xf32>
    %logistic3A_15 = arith.addf %logistic3A_14, %logistic3A_12 : vector<1024x1024xf32>
    %logistic3A_16 = arith.divf %logistic3A_14, %logistic3A_15 : vector<1024x1024xf32>
    %mul3A = arith.mulf %dot_general3A_5, %logistic3A_16 : vector<1024x1024xf32>
    %mul3A_17 = arith.mulf %mul3A, %dot_general3A_11 : vector<1024x1024xf32>
    %get3A_18 = arith.constant 0 : index
    %get3A_19 = arith.constant 0 : index
    %get3A_20 = vector.load %arg4[%get3A_18, %get3A_19] : memref<1024x1024xf32, #tpu.memory_space<vmem>>, vector<1024x1024xf32>
    %transpose3A_21 = tpu.transpose %get3A_20, [1, 0] : vector<1024x1024xf32> -> vector<1024x1024xf32>
    %dot_general3A_22 = arith.constant dense<0.000000e+00> : vector<1024x1024xf32>
    %dot_general3A_23 = tpu.matmul %mul3A_17, %transpose3A_21, %dot_general3A_22 {dimension_numbers = #tpu.dot_dimension_numbers<[1], [0], [0], [1], [0, 0, 1, 1], [], []>, transpose_lhs_hint = false} : vector<1024x1024xf32>, vector<1024x1024xf32>, vector<1024x1024xf32> -> vector<1024x1024xf32>
    %swap3A = arith.constant 0 : index
    %swap3A_24 = arith.constant 0 : index
    %swap3A_25 = vector.load %arg5[%swap3A, %swap3A_24] : memref<1024x1024xf32, #tpu.memory_space<vmem>>, vector<1024x1024xf32>
    tpu.vector_store %arg5[%swap3A, %swap3A_24], %dot_general3A_23 {strides = array<i32>} : memref<1024x1024xf32, #tpu.memory_space<vmem>>, vector<1024x1024xf32>,
    return
  }
  func.func @transform_0(%arg0: i32) -> (i32, i32) {
    %c0_i32 = arith.constant 0 : i32
    %c0_i32_0 = arith.constant 0 : i32
    return %arg0, %c0_i32 : i32, i32
  }
  func.func @transform_1(%arg0: i32) -> (i32, i32) {
    %c0_i32 = arith.constant 0 : i32
    %c0_i32_0 = arith.constant 0 : i32
    %c0_i32_1 = arith.constant 0 : i32
    return %c0_i32, %c0_i32_0 : i32, i32
  }
  func.func @transform_2(%arg0: i32) -> (i32, i32) {
    %c0_i32 = arith.constant 0 : i32
    %c0_i32_0 = arith.constant 0 : i32
    %c0_i32_1 = arith.constant 0 : i32
    return %c0_i32, %c0_i32_0 : i32, i32
  }
  func.func @transform_3(%arg0: i32) -> (i32, i32) {
    %c0_i32 = arith.constant 0 : i32
    %c0_i32_0 = arith.constant 0 : i32
    %c0_i32_1 = arith.constant 0 : i32
    return %c0_i32, %c0_i32_0 : i32, i32
  }
  func.func @transform_4(%arg0: i32) -> (i32, i32) {
    %c0_i32 = arith.constant 0 : i32
    %c0_i32_0 = arith.constant 0 : i32
    return %arg0, %c0_i32 : i32, i32
  }
}

module attributes {stable_mosaic.version = 14 : i64} {
  func.func @_combine_body(%arg0: i32, %arg1: memref<1024x1024xf32, #tpu.memory_space<vmem>>, %arg2: memref<1024x512xi32, #tpu.memory_space<vmem>>, %arg3: memref<1024x512xi32, #tpu.memory_space<vmem>>, %arg4: memref<1024x128xf32, #tpu.memory_space<vmem>>, %arg5: memref<1024x1024xf32, #tpu.memory_space<vmem>>) attributes {dimension_semantics = [#tpu.dimension_semantics<parallel>], iteration_bounds = array<i64: 4>, scalar_prefetch = 0 : i64, scratch_operands = 0 : i64, tpu.core_type = #tpu.core_type<tc>, window_params = [{transform_indices = @transform_0, window_bounds = array<i64: 1024, 1024>}, {transform_indices = @transform_1, window_bounds = array<i64: 1024, 512>}, {transform_indices = @transform_2, window_bounds = array<i64: 1024, 512>}, {transform_indices = @transform_3, window_bounds = array<i64: 1024, 128>}, {transform_indices = @transform_4, window_bounds = array<i64: 1024, 1024>}]} {
    %get3A = arith.constant 0 : index
    %get3A_0 = arith.constant 0 : index
    %get3A_1 = vector.load %arg4[%get3A, %get3A_0] : memref<1024x128xf32, #tpu.memory_space<vmem>>, vector<1024x1xf32>
    %get3A_2 = arith.constant 0 : index
    %get3A_3 = arith.constant 1 : index
    %get3A_4 = vector.load %arg4[%get3A_2, %get3A_3] : memref<1024x128xf32, #tpu.memory_space<vmem>>, vector<1024x1xf32>
    %get3A_5 = arith.constant 0 : index
    %get3A_6 = arith.constant 0 : index
    %get3A_7 = vector.load %arg2[%get3A_5, %get3A_6] : memref<1024x512xi32, #tpu.memory_space<vmem>>, vector<1024x512xi32>
    %bitcast_convert_type3A = tpu.bitcast %get3A_7 : vector<1024x512xi32> -> vector<1024x512xi32>
    %and3A = arith.constant 65535 : i32
    %and3A_8 = vector.broadcast %and3A : i32 to vector<1024x512xi32>
    %and3A_9 = arith.andi %bitcast_convert_type3A, %and3A_8 : vector<1024x512xi32>
    %shift_left3A = arith.constant 16 : i32
    %shift_left3A_10 = vector.broadcast %shift_left3A : i32 to vector<1024x512xi32>
    %shift_left3A_11 = arith.shli %and3A_9, %shift_left3A_10 : vector<1024x512xi32>
    %bitcast_convert_type3A_12 = tpu.bitcast %shift_left3A_11 : vector<1024x512xi32> -> vector<1024x512xf32>
    %and3A_13 = arith.constant -65536 : i32
    %and3A_14 = vector.broadcast %and3A_13 : i32 to vector<1024x512xi32>
    %and3A_15 = arith.andi %bitcast_convert_type3A, %and3A_14 : vector<1024x512xi32>
    %bitcast_convert_type3A_16 = tpu.bitcast %and3A_15 : vector<1024x512xi32> -> vector<1024x512xf32>
    %concatenate3A = tpu.concatenate %bitcast_convert_type3A_12, %bitcast_convert_type3A_16 in 1 : vector<1024x512xf32>, vector<1024x512xf32> -> vector<1024x1024xf32>
    %get3A_17 = arith.constant 0 : index
    %get3A_18 = arith.constant 0 : index
    %get3A_19 = vector.load %arg3[%get3A_17, %get3A_18] : memref<1024x512xi32, #tpu.memory_space<vmem>>, vector<1024x512xi32>
    %bitcast_convert_type3A_20 = tpu.bitcast %get3A_19 : vector<1024x512xi32> -> vector<1024x512xi32>
    %and3A_21 = arith.constant 65535 : i32
    %and3A_22 = vector.broadcast %and3A_21 : i32 to vector<1024x512xi32>
    %and3A_23 = arith.andi %bitcast_convert_type3A_20, %and3A_22 : vector<1024x512xi32>
    %shift_left3A_24 = arith.constant 16 : i32
    %shift_left3A_25 = vector.broadcast %shift_left3A_24 : i32 to vector<1024x512xi32>
    %shift_left3A_26 = arith.shli %and3A_23, %shift_left3A_25 : vector<1024x512xi32>
    %bitcast_convert_type3A_27 = tpu.bitcast %shift_left3A_26 : vector<1024x512xi32> -> vector<1024x512xf32>
    %and3A_28 = arith.constant -65536 : i32
    %and3A_29 = vector.broadcast %and3A_28 : i32 to vector<1024x512xi32>
    %and3A_30 = arith.andi %bitcast_convert_type3A_20, %and3A_29 : vector<1024x512xi32>
    %bitcast_convert_type3A_31 = tpu.bitcast %and3A_30 : vector<1024x512xi32> -> vector<1024x512xf32>
    %concatenate3A_32 = tpu.concatenate %bitcast_convert_type3A_27, %bitcast_convert_type3A_31 in 1 : vector<1024x512xf32>, vector<1024x512xf32> -> vector<1024x1024xf32>
    %get3A_33 = arith.constant 0 : index
    %get3A_34 = arith.constant 0 : index
    %get3A_35 = vector.load %arg1[%get3A_33, %get3A_34] : memref<1024x1024xf32, #tpu.memory_space<vmem>>, vector<1024x1024xf32>
    %mul3A = vector.broadcast %get3A_1 : vector<1024x1xf32> to vector<1024x1024xf32>
    %mul3A_36 = arith.mulf %mul3A, %concatenate3A : vector<1024x1024xf32>
    %add3A = arith.addf %get3A_35, %mul3A_36 : vector<1024x1024xf32>
    %mul3A_37 = vector.broadcast %get3A_4 : vector<1024x1xf32> to vector<1024x1024xf32>
    %mul3A_38 = arith.mulf %mul3A_37, %concatenate3A_32 : vector<1024x1024xf32>
    %add3A_39 = arith.addf %add3A, %mul3A_38 : vector<1024x1024xf32>
    %swap3A = arith.constant 0 : index
    %swap3A_40 = arith.constant 0 : index
    %swap3A_41 = vector.load %arg5[%swap3A, %swap3A_40] : memref<1024x1024xf32, #tpu.memory_space<vmem>>, vector<1024x1024xf32>
    tpu.vector_store %arg5[%swap3A, %swap3A_40], %add3A_39 {strides = array<i32>} : memref<1024x1024xf32, #tpu.memory_space<vmem>>, vector<1024x1024xf32>,
    return
  }
  func.func @transform_0(%arg0: i32) -> (i32, i32) {
    %c0_i32 = arith.constant 0 : i32
    %c0_i32_0 = arith.constant 0 : i32
    return %arg0, %c0_i32 : i32, i32
  }
  func.func @transform_1(%arg0: i32) -> (i32, i32) {
    %c0_i32 = arith.constant 0 : i32
    %c0_i32_0 = arith.constant 0 : i32
    return %arg0, %c0_i32 : i32, i32
  }
  func.func @transform_2(%arg0: i32) -> (i32, i32) {
    %c0_i32 = arith.constant 0 : i32
    %c0_i32_0 = arith.constant 0 : i32
    return %arg0, %c0_i32 : i32, i32
  }
  func.func @transform_3(%arg0: i32) -> (i32, i32) {
    %c0_i32 = arith.constant 0 : i32
    %c0_i32_0 = arith.constant 0 : i32
    return %arg0, %c0_i32 : i32, i32
  }
  func.func @transform_4(%arg0: i32) -> (i32, i32) {
    %c0_i32 = arith.constant 0 : i32
    %c0_i32_0 = arith.constant 0 : i32
    return %arg0, %c0_i32 : i32, i32
  }
}

</mosaic_0001>

<sc_bundles>
// kernel: kernel.11.cloned.1.call-start
scs
__scs_entry_jumppad:
0x0: {  	(pc) =	sbr.rel $0x88, $3  }
0x1: {  	(tag) =	ssettag $0x0;
	lr =	simm.s32 $0x1  }
0x2: {  	[smem:$0x3F98] =	sst lr;
	_ =	strace $0xD0000000  }
0x3: {  	_ = 	snop  }
0x4: {  	_ = 	snop  }
0x5: {  	_ = 	snop  }
0x6: {  	_ = 	snop  }
0x7: {  	_ = 	snop  }
__scs_overlays_trampoline_lowered:
0x8: {  	[smem:$0x3FA7] =	sst s0  }
0x9: {  	[smem:$0x3FA8] =	sst s1  }
0xa: {  	[smem:$0x3FA9] =	sst s2  }
0xb: {  	[smem:$0x3FAA] =	sst s3  }
0xc: {  	[smem:$0x3FAB] =	sst s4  }
0xd: {  	[smem:$0x3FAC] =	sst s5  }
0xe: {  	[smem:$0x3FAD] =	sst s6  }
0xf: {  	[smem:$0x3FAE] =	sst s7  }
0x10: {  	[smem:$0x3FAF] =	sst s8  }
0x11: {  	[smem:$0x3FB0] =	sst s9;
	s0 =	simm.s32 @!p0 $0x0  }
0x12: {  	s1 =	sld [smem:$0x3F96];
	s0 =	simm.s32 @p0 $0x1  }
0x13: {  	[smem:$0x3FB1] =	sst s0;
	s0 =	simm.s32 @!p1 $0x0  }
0x14: {  	s2 =	sld [smem:$0x3F95];
	s0 =	simm.s32 @p1 $0x1  }
0x15: {  	[smem:$0x3FB2] =	sst s0;
	s0 =	simm.s32 @!p2 $0x0  }
0x16: {  	s3 =	sld [smem:$0x3FDB];
	s0 =	simm.s32 @p2 $0x1  }
0x17: {  	s4 =	simm.s32 $0x1BF5;
	[smem:$0x3FB4] =	sst s0  }
0x18: {  	s0 =	sld [smem:$0x3F97];
	_ =	swait.ge [sflag:s4], $0x0  }
0x19: {  	s7 =	sld [smem:$0x3F98]  }
0x1a: {  	s8 =	sadd.s32 $0xFFFFE003, lr  }
0x1b: {  	s9 =	sadd.s32 $0xFFFFFEF7, lr;
	s5 =	simm.s32 $0xFFFFFFFF;
	p2 =	slt.u32 s8, $0xFFFFF086  }
0x1c: {  	p1 =	slt.u32 s9, $0xF7A;
	s5 =	simm.s32 @!p2 $0x0  }
0x1d: {  	s5 =	simm.s32 @p1 $0x1;
	p0 =	seq.s32 s7, s2  }
0x1e: {  	s7 =	smul.u32 @!p0 $0xF7A, s2;
	p2 =	seq.s32 @!p0 s5, $0x0  }
0x1f: {  	s9 =	smul.u32 $0xF7A, s1;
	s8 =	simm.s32 @!p0 $0x1BF5;
	p2 =	por !p2, p0  }
0x20: {  	[sflag:s8] =	ssyncset.s32 @!p0 $0xFFFFF086;
	s6 =	sadd.s32 @!p0 s3, s7;
	s7 =	simm.s32 @!p0 $0x108  }
0x21: {  	s3 =	sadd.s32 s3, s9;
	s6 =	sadd.s32 @!p0 $0x88, s6;
	s7 =	simm.s32 @p2 $0x1082  }
0x22: {  	[simem:s7], [sflag:s8] =	dma.local @!p0 [hbm:s6], $0xF7A  }
0x23: {  	s9 =	sor.u32 $0xD0000000, s2;
	s6 =	simm.s32 $0x108;
	_ =	swait.ge @!p0 [sflag:s8], $0x0  }
0x24: {  	s3 =	sadd.s32 $0x88, s3;
	s6 =	simm.s32 @!p1 $0x1082;
	[sflag:s4] =	ssyncset.s32 $0xFFFFF086  }
0x25: {  	[simem:s6], [sflag:s4] =	dma.local [hbm:s3], $0xF7A  }
0x26: {  	[smem:$0x3F98] =	sst s1;
	(tag) =	ssettag s2;
	_ =	strace s9  }
0x27: {  	s1 =	sld [smem:$0x3FA8]  }
0x28: {  	s2 =	sld [smem:$0x3FA9]  }
0x29: {  	s4 =	sld [smem:$0x3FAB]  }
0x2a: {  	p0 =	seq.s32 s5, $0x0;
	s5 =	sld [smem:$0x3FAC]  }
0x2b: {  	s6 =	sld [smem:$0x3FAD]  }
0x2c: {  	s7 =	sld [smem:$0x3FAE]  }
0x2d: {  	s3 =	simm.s32 $0x108;
	s8 =	sld [smem:$0x3FAF]  }
0x2e: {  	s3 =	simm.s32 @!p0 $0x1082;
	s9 =	sld [smem:$0x3FB0]  }
0x2f: {  	lr =	sadd.s32 s0, s3;
	s0 =	sld [smem:$0x3FA7]  }
0x30: {  	s3 =	sld [smem:$0x3FAA]  }
0x31: {  	[smem:$0x3FB3] =	sst s10  }
0x32: {  	s10 =	sld [smem:$0x3FB1];
	_ =	sdelay $0x3  }
0x33: {  	p0 =	seq.s32 s10, $0x1;
	s10 =	sld [smem:$0x3FB3];
	_ =	sdelay $0x3  }
0x34: {  	[smem:$0x3FB3] =	sst s10  }
0x35: {  	s10 =	sld [smem:$0x3FB2];
	_ =	sdelay $0x3  }
0x36: {  	p1 =	seq.s32 s10, $0x1;
	s10 =	sld [smem:$0x3FB3];
	_ =	sdelay $0x3  }
0x37: {  	[smem:$0x3FB3] =	sst s10  }
0x38: {  	s10 =	sld [smem:$0x3FB4]  }
0x39: {  	_ = 	snop;
	(pc) =	sbr.ind lr, $3  }
0x3a: {  	_ = 	snop  }
0x3b: {  	_ = 	snop  }
0x3c: {  	p2 =	seq.s32 s10, $0x1;
	s10 =	sld [smem:$0x3FB3]  }
0x3d: {  	_ =	shalt  }
0x3e: {  	_ =	shalt  }
0x3f: {  	_ =	shalt  }
0x40: {  	_ =	shalt  }
0x41: {  	_ =	shalt  }
0x42: {  	_ =	shalt  }
0x43: {  	_ =	shalt  }
0x44: {  	_ =	shalt  }
0x45: {  	_ =	shalt  }
0x46: {  	_ =	shalt  }
0x47: {  	_ =	shalt  }
0x48: {  	_ =	shalt  }
0x49: {  	_ =	shalt  }
0x4a: {  	_ =	shalt  }
0x4b: {  	_ =	shalt  }
0x4c: {  	_ =	shalt  }
0x4d: {  	_ =	shalt  }
0x4e: {  	_ =	shalt  }
0x4f: {  	_ =	shalt  }
0x50: {  	_ =	shalt  }
0x51: {  	_ =	shalt  }
0x52: {  	_ =	shalt  }
0x53: {  	_ =	shalt  }
0x54: {  	_ =	shalt  }
0x55: {  	_ =	shalt  }
0x56: {  	_ =	shalt  }
0x57: {  	_ =	shalt  }
0x58: {  	_ =	shalt  }
0x59: {  	_ =	shalt  }
0x5a: {  	_ =	shalt  }
0x5b: {  	_ =	shalt  }
0x5c: {  	_ =	shalt  }
0x5d: {  	_ =	shalt  }
0x5e: {  	_ =	shalt  }
0x5f: {  	_ =	shalt  }
0x60: {  	_ =	shalt  }
0x61: {  	_ =	shalt  }
0x62: {  	_ =	shalt  }
0x63: {  	_ =	shalt  }
0x64: {  	_ =	shalt  }
0x65: {  	_ =	shalt  }
0x66: {  	_ =	shalt  }
0x67: {  	_ =	shalt  }
0x68: {  	_ =	shalt  }
0x69: {  	_ =	shalt  }
0x6a: {  	_ =	shalt  }
0x6b: {  	_ =	shalt  }
0x6c: {  	_ =	shalt  }
0x6d: {  	_ =	shalt  }
0x6e: {  	_ =	shalt  }
0x6f: {  	_ =	shalt  }
0x70: {  	_ =	shalt  }
0x71: {  	_ =	shalt  }
0x72: {  	_ =	shalt  }
0x73: {  	_ =	shalt  }
0x74: {  	_ =	shalt  }
0x75: {  	_ =	shalt  }
0x76: {  	_ =	shalt  }
0x77: {  	_ =	shalt  }
0x78: {  	_ =	shalt  }
0x79: {  	_ =	shalt  }
0x7a: {  	_ =	shalt  }
0x7b: {  	_ =	shalt  }
0x7c: {  	_ =	shalt  }
0x7d: {  	_ =	shalt  }
0x7e: {  	_ =	shalt  }
0x7f: {  	_ =	shalt  }
0x80: {  	_ =	shalt  }
0x81: {  	_ =	shalt  }
0x82: {  	_ =	shalt  }
0x83: {  	_ =	shalt  }
0x84: {  	_ =	shalt  }
0x85: {  	_ =	shalt  }
0x86: {  	_ =	shalt  }
0x87: {  	_ =	shalt  }
.Lfunc_end0:
.L_simem_size_0:
called_computation.1_lowered:
.L_overlay_start_0:
0x88: {  	s2 =	sld [smem:$0x3FD9]  }
0x89: {  	s3 =	sld [smem:$0x3FFE];
	_ =	sdelay $0x1  }
0x8a: {  	s1 =	srdreg.scid  }
0x8b: {  	s0 =	sand.u32 $0x1, s1  }
0x8c: {  	s17 =	sshll.u32 s0, $0xA;
	s2 =	sadd.s32 s3, s2  }
0x8d: {  	s2 =	sadd.s32 s2, s17  }
0x8e: {  	[smem:$0x3FBF] =	sst s2  }
0x8f: {  	_ = 	snop  }
0x90: {  	s2 =	sld [smem:$0x3FD0];
	(tm) =	ssettm $0x1  }
0x91: {  	s18 =	sld [smem:$0x3FFB];
	_ =	sdelay $0x3  }
0x92: {  	_ =	strace s18  }
0x93: {  	s3 =	sld [smem:$0x3FFC];
	_ =	sdelay $0x3  }
0x94: {  	_ =	strace s3  }
0x95: {  	s3 =	sld [smem:$0x3FFD];
	_ =	sdelay $0x3  }
0x96: {  	_ =	strace s3  }
0x97: {  	_ =	strace $0x8FFFFFFF  }
0x98: {  	s19 =	sld [smem:$0x3FDB];
	_ =	sdelay $0x1  }
0x99: {  	s4 =	simm.s32 $_scs_section_size  }
0x9a: {  	s5 =	simm.s32 $_size__tile_overlayer_lowered;
	s6 =	simm.s32 $_tile_overlayer_lowered  }
0x9b: {  	s22 =	simm.s32 $0x1BFF;
	s21 =	sshll.u32 s6, $0x1;
	s3 =	sadd.s32 s4, s19  }
0x9c: {  	s7 =	simm.s32 $0x0;
	s20 =	sshll.u32 s5, $0x1;
	s5 =	sadd.s32 s21, s3  }
0x9d: {  	[timem:s7], [sflag:s22] =	dma.local [hbm:s5], s20  }
0x9e: {  	_ =	swait.ge [sflag:s22], s20  }
0x9f: {  	s4 =	ssub.s32 $0x0, s20;
	[sflag:s22] =	ssyncset.done $0x0  }
0xa0: {  	[sflag:s22] =	ssyncadd.s32 s4;
	_ =	sdelay $0x1  }
0xa1: {  	s23 =	simm.s32 $0x1B8B  }
0xa2: {  	_ =	swait.ge [sflag:s23], $0x1  }
0xa3: {  	[sflag:s23] =	ssyncset.done $0x0  }
0xa4: {  	s25 =	simm.s32 $0x1B8E;
	s24 =	sld [smem:$0x3FFE];
	[sflag:s23] =	ssyncadd.s32 $0xFFFFFFFF  }
0xa5: {  	s26 =	simm.s32 $execute0_lowered;
	[smem:$0x3FD2] =	sst s25  }
0xa6: {  	s5 =	sshll.u32 s26, $0x1;
	_ =	strace $0x80000049;
	[dreg:$0x1] =	wrdreg $0xFFFFFFFF  }
0xa7: {  	s28 =	simm.s32 $_size_execute0_lowered;
	s3 =	sadd.s32 s3, s5;
	[dreg:$0x0] =	wrdreg $0x0  }
0xa8: {  	s5 =	sshll.u32 s28, $0x1;
	[dreg:$0x2] =	wrdreg s3  }
0xa9: {  	[dreg:$0x3] =	wrdreg s5  }
0xaa: {  	[dreg:$0x4] =	wrdreg $0xC0  }
0xab: {  	_ =	task [dreg:s7], $0x5FFFF  }
0xac: {  	[dreg:$0x1] =	wrdreg $0xFFFFFFFF  }
0xad: {  	[dreg:$0x0] =	wrdreg $0x60  }
0xae: {  	[dreg:$0x2] =	wrdreg s24  }
0xaf: {  	[dreg:$0x3] =	wrdreg s2  }
0xb0: {  	[dreg:$0x4] =	wrdreg $0x9  }
0xb1: {  	_ =	task.clear_ibuf [dreg:s7], $0x5FFFF;
	_ =	strace $0x90000049  }
0xb2: {  	s29 =	simm.s32 $0x9;
	_ =	strace $0x8000004B  }
0xb3: {  	_ =	swait.ge [sflag:s29], $0x1  }
0xb4: {  	[sflag:s29] =	ssyncadd.s32 $0xFFFFFFFF  }
0xb5: {  	_ =	strace $0x9000004B  }
0xb6: {  	_ =	sfence  }
0xb7: {  	s30 =	sld [smem:$0x0];
	_ =	sdelay $0x2  }
0xb8: {  	s31 =	sshll.u32 s1, $0xD;
	s1 =	sshrl.u32 s1, $0x2  }
0xb9: {  	s3 =	sand.u32 $0x4000, s31;
	s1 =	sadd.s32 s1, s30  }
0xba: {  	s0 =	sor.u32 s3, s0;
	s1 =	sshll.u32 s1, $0x11  }
0xbb: {  	s0 =	sor.u32 s1, s0  }
0xbc: {  	s0 =	sadd.s32 $0x8F2B, s0  }
0xbd: {  	[sflag:s0] =	ssyncadd.remote.s32 $0x1  }
0xbe: {  	_ =	sfence.sel $0xFFFF  }
0xbf: {  	[dreg:$0x0] =	wrdreg $0xFFFFFFFF;
	(pc) =	sbr.abs _section_cstart, $3  }
0xc0: {  	[dreg:$0x1] =	wrdreg $0xFFFFFFFF  }
0xc1: {  	_ =	task.clear_ibuf [dreg:s7], $0x2FFFF;
	_ =	strace $0x9FFFFFFF  }
0xc2: {  	(tm) =	ssettm $0x7FFFFFFF  }
0xc3: {  	_ =	shalt  }
tec
execute0_lowered:
.L_overlay_start_1:
0x0: {  	(tag) =	ssettag $0x1  }
0x1: {  	s1 =	srdreg.scid;
	s0 =	stileid.u32  }
0x2: {  	s4 =	rddreg [dreg:$0x0];
	s1 =	sand.u32 $0x1, s1;
	s2 =	sshll.u32 s0, $0x1  }
0x3: {  	s3 =	rddreg [dreg:$0x1];
	s5 =	sor.u32 s1, s2;
	s2 =	simm.s32 $0x0  }
0x4: {  	s18 =	simm.s32 $0x18000;
	[smem:$0x7FF] =	sst s2  }
0x5: {  	s19 =	simm.s32 $0x18080;
	_ =	strace $0x8000004A;
	[dreg:$0xb] =	wrdreg s18  }
0x6: {  	s20 =	simm.s32 $0x18100;
	[dreg:$0xc] =	wrdreg s19  }
0x7: {  	s21 =	simm.s32 $0x18180;
	[dreg:$0xd] =	wrdreg s20  }
0x8: {  	s22 =	simm.s32 $0x8800;
	s23 =	simm.s32 $0x9000;
	[dreg:$0xe] =	wrdreg s21  }
0x9: {  	s24 =	simm.s32 $0x9800;
	s25 =	simm.s32 $0xA000;
	[dreg:$0xf] =	wrdreg s22  }
0xa: {  	s8 =	simm.s32 $0xC000;
	s9 =	simm.s32 $0xC800;
	[dreg:$0x10] =	wrdreg s23  }
0xb: {  	s10 =	simm.s32 $0xD000;
	s11 =	simm.s32 $0xD800;
	[dreg:$0x11] =	wrdreg s24  }
0xc: {  	s28 =	simm.s32 $0x17800;
	s0 =	simm.s32 $0xA800;
	[dreg:$0x12] =	wrdreg s25  }
0xd: {  	s29 =	simm.s32 $0x1;
	s30 =	simm.s32 $0x2;
	[dreg:$0x13] =	wrdreg s0  }
0xe: {  	s31 =	simm.s32 $0x3;
	s14 =	sadd.s32 $0x12600, s4;
	[dreg:$0x16] =	wrdreg s8  }
0xf: {  	s1 =	ssub.s32 $0x2, s1;
	s6 =	sshll.u32 s5, $0x6;
	[dreg:$0x17] =	wrdreg s9  }
0x10: {  	s5 =	sshll.u32 s5, $0xD;
	s26 =	sshrl.u32 s1, $0x1;
	[dreg:$0x18] =	wrdreg s10  }
0x11: {  	s6 =	sadd.s32 s6, s4;
	s15 =	sadd.s32 s3, s5;
	[dreg:$0x19] =	wrdreg s11  }
0x12: {  	s16 =	sadd.s32 s14, s5;
	s5 =	sor.u32 $0x1000, s5;
	[dreg:$0x7] =	wrdreg s15  }
0x13: {  	s1 =	ssub.s32 s1, s26;
	s18 =	simm.s32 $0x11800;
	[dreg:$0x8] =	wrdreg s16  }
0x14: {  	s8 =	simm.s32 $0x1000;
	s19 =	simm.s32 $0x12000;
	[smem:$0x7F5] =	sst s18  }
0x15: {  	s9 =	simm.s32 $0x1800;
	s20 =	simm.s32 $0x12800;
	[smem:$0x7F6] =	sst s19  }
0x16: {  	s10 =	simm.s32 $0x2000;
	s21 =	simm.s32 $0x13000;
	[smem:$0x7F7] =	sst s20  }
0x17: {  	s11 =	simm.s32 $0x2800;
	s22 =	simm.s32 $0x13800;
	[smem:$0x7F8] =	sst s21  }
0x18: {  	s23 =	simm.s32 $0x14000;
	s24 =	simm.s32 $0x14800;
	[smem:$0x7F9] =	sst s22  }
0x19: {  	s25 =	simm.s32 $0x15000;
	s26 =	simm.s32 $0x15800;
	[smem:$0x7FA] =	sst s23  }
0x1a: {  	s7 =	sadd.s32 $0x11E00, s6;
	s12 =	sadd.s32 $0x11E10, s6;
	[smem:$0x7FB] =	sst s24  }
0x1b: {  	s13 =	sadd.s32 $0x11E20, s6;
	s6 =	sadd.s32 $0x11E30, s6;
	[smem:$0x7FC] =	sst s25  }
0x1c: {  	s3 =	sadd.s32 s3, s5;
	s17 =	sadd.s32 s14, s5;
	[smem:$0x7FD] =	sst s26  }
0x1d: {  	s5 =	smax.u32 s1, $0x1;
	s14 =	simm.s32 $0xF000;
	[dreg:$0x3] =	wrdreg s7  }
0x1e: {  	s15 =	simm.s32 $0xF800;
	s16 =	simm.s32 $0x10800;
	[dreg:$0x4] =	wrdreg s12  }
0x1f: {  	s18 =	simm.s32 $0x6000;
	s19 =	simm.s32 $0x6800;
	[dreg:$0x5] =	wrdreg s13  }
0x20: {  	s20 =	simm.s32 $0x7000;
	s21 =	simm.s32 $0x7800;
	[dreg:$0x6] =	wrdreg s6  }
0x21: {  	s22 =	simm.s32 $0x8000;
	s23 =	simm.s32 $0x10000;
	[dreg:$0x9] =	wrdreg s3  }
0x22: {  	s25 =	simm.s32 $0x16800;
	s26 =	simm.s32 $0x17000;
	[dreg:$0xa] =	wrdreg s17  }
0x23: {  	s1 =	simm.s32 $0x4;
	s3 =	sadd.s32 $0xB2800, s4;
	[dreg:$0x1c] =	wrdreg s14  }
0x24: {  	s6 =	simm.s32 $0xB000;
	s4 =	sadd.s32 $0xB2900, s4;
	[dreg:$0x1d] =	wrdreg s15  }
0x25: {  	s7 =	simm.s32 $0xB800;
	s12 =	simm.s32 $0xE000;
	[dreg:$0x1e] =	wrdreg s16  }
0x26: {  	s13 =	simm.s32 $0xE800;
	s14 =	simm.s32 $0x4000;
	[dreg:$0x14] =	wrdreg s6  }
0x27: {  	s17 =	simm.s32 $0x11000;
	s15 =	simm.s32 $0x4800;
	[dreg:$0x15] =	wrdreg s7  }
0x28: {  	v2 =	vlaneseq.u32;
	s16 =	simm.s32 $0x5000;
	s6 =	simm.s32 $0x5;
	[dreg:$0x1a] =	wrdreg s12  }
0x29: {  	vm0 =	vmmov $0xffff;
	v1 =	vshrl.u32 v2, $0x3;
	s7 =	simm.s32 $0x800;
	[dreg:$0x1b] =	wrdreg s13;
	s12 =	simm.s32 $0x3000  }
0x2a: {  	v0 =	vand.u32 $0x7, v2;
	v2 =	vor.u32 $0x8, v2;
	v1 =	vmul.u32 $0x8, v1;
	s13 =	simm.s32 $0x3800;
	[dreg:$0x1f] =	wrdreg s17;
	s17 =	simm.s32 $0x5800  }
.LBB2_1:
0x2b: {  	s0 =	rddreg [dreg:$0x3]  }
0x2c: {  	s24 =	rddreg [dreg:$0xb]  }
0x2d: {  	[tilespmem:s24], [sflag:$0x5] =	stream.linear.gather [hbm4b:s0+s2], $0x80, $0x38;
	[tilespmem:$0x18200] =	vst v63  }
0x2e: {  	_ =	swait.ge [sflag:s6], $0x80  }
0x2f: {  	s0 =	rddreg [dreg:$0x4];
	[sflag:s6] =	ssyncset.done $0x0  }
0x30: {  	s24 =	rddreg [dreg:$0xc];
	[sflag:s6] =	ssyncadd.s32 $0xFFFFFF80  }
0x31: {  	[tilespmem:s24], [sflag:$0x5] =	stream.linear.gather [hbm4b:s0+s2], $0x80, $0x38;
	[tilespmem:$0x18200] =	vst v63  }
0x32: {  	_ =	swait.ge [sflag:s6], $0x80  }
0x33: {  	s0 =	rddreg [dreg:$0x5];
	[sflag:s6] =	ssyncset.done $0x0  }
0x34: {  	s24 =	rddreg [dreg:$0xd];
	[sflag:s6] =	ssyncadd.s32 $0xFFFFFF80  }
0x35: {  	[tilespmem:s24], [sflag:$0x5] =	stream.linear.gather [hbm4b:s0+s2], $0x80, $0x38;
	[tilespmem:$0x18200] =	vst v63  }
0x36: {  	_ =	swait.ge [sflag:s6], $0x80  }
0x37: {  	s0 =	rddreg [dreg:$0x6];
	[sflag:s6] =	ssyncset.done $0x0  }
0x38: {  	s24 =	rddreg [dreg:$0xe];
	[sflag:s6] =	ssyncadd.s32 $0xFFFFFF80  }
0x39: {  	[tilespmem:s24], [sflag:$0x5] =	stream.linear.gather [hbm4b:s0+s2], $0x80, $0x38;
	[tilespmem:$0x18200] =	vst v63  }
0x3a: {  	_ =	swait.ge [sflag:s6], $0x80  }
0x3b: {  	[sflag:s6] =	ssyncset.done $0x0  }
0x3c: {  	[sflag:s6] =	ssyncadd.s32 $0xFFFFFF80  }
0x3d: {  	v3 =	vld [tilespmem:$0x18000];
	_ =	sdelay $0x4  }
0x3e: {  	v4 =	vshll.u32 v3, $0x2  }
0x3f: {  	v3 =	vand.u32 $0x7, v3;
	v4 =	vand.u32 $0xFFFFFFE0, v4  }
0x40: {  	v3 =	vor.u32 v3, v4  }
0x41: {  	v4 =	vperm.xlane v3, v0;
	_ =	sdelay $0x1  }
0x42: {  	v4 =	vadd.s32 v1, v4;
	_ =	sdelay $0x1  }
0x43: {  	v3 =	vperm.xlane v3, v2;
	_ =	sdelay $0x1  }
0x44: {  	v3 =	vadd.s32 v1, v3  }
0x45: {  	[tilespmem:s2], [sflag:$0x1] =	stream.indirect_vreg.gather [hbm4b:s3+s2], $0x80, v4, vm0, $0xb8;
	[tilespmem:$0x18200] =	vst v63  }
0x46: {  	_ = 	snop  }
0x47: {  	[tilespmem:s7], [sflag:$0x1] =	stream.indirect_vreg.gather [hbm4b:s4+s2], $0x80, v4, vm0, $0xb8;
	[tilespmem:$0x18200] =	vst v63  }
0x48: {  	_ = 	snop  }
0x49: {  	[tilespmem:s8], [sflag:$0x1] =	stream.indirect_vreg.gather [hbm4b:s3+s2], $0x80, v3, vm0, $0xb8;
	[tilespmem:$0x18200] =	vst v63  }
0x4a: {  	_ = 	snop  }
0x4b: {  	[tilespmem:s9], [sflag:$0x1] =	stream.indirect_vreg.gather [hbm4b:s4+s2], $0x80, v3, vm0, $0xb8;
	[tilespmem:$0x18200] =	vst v63  }
0x4c: {  	v3 =	vld [tilespmem:$0x18010];
	_ =	sdelay $0x4  }
0x4d: {  	v49 =	vshll.u32 v3, $0x2  }
0x4e: {  	v3 =	vand.u32 $0x7, v3;
	v4 =	vand.u32 $0xFFFFFFE0, v49  }
0x4f: {  	v3 =	vor.u32 v3, v4  }
0x50: {  	v4 =	vperm.xlane v3, v0;
	_ =	sdelay $0x1  }
0x51: {  	v4 =	vadd.s32 v1, v4;
	_ =	sdelay $0x1  }
0x52: {  	v3 =	vperm.xlane v3, v2;
	_ =	sdelay $0x1  }
0x53: {  	v3 =	vadd.s32 v1, v3  }
0x54: {  	[tilespmem:s10], [sflag:$0x1] =	stream.indirect_vreg.gather [hbm4b:s3+s2], $0x80, v4, vm0, $0xb8;
	[tilespmem:$0x18200] =	vst v63  }
0x55: {  	_ = 	snop  }
0x56: {  	[tilespmem:s11], [sflag:$0x1] =	stream.indirect_vreg.gather [hbm4b:s4+s2], $0x80, v4, vm0, $0xb8;
	[tilespmem:$0x18200] =	vst v63  }
0x57: {  	_ = 	snop  }
0x58: {  	[tilespmem:s12], [sflag:$0x1] =	stream.indirect_vreg.gather [hbm4b:s3+s2], $0x80, v3, vm0, $0xb8;
	[tilespmem:$0x18200] =	vst v63  }
0x59: {  	_ = 	snop  }
0x5a: {  	[tilespmem:s13], [sflag:$0x1] =	stream.indirect_vreg.gather [hbm4b:s4+s2], $0x80, v3, vm0, $0xb8;
	[tilespmem:$0x18200] =	vst v63  }
0x5b: {  	v3 =	vld [tilespmem:$0x18020];
	_ =	sdelay $0x4  }
0x5c: {  	v50 =	vshll.u32 v3, $0x2  }
0x5d: {  	v3 =	vand.u32 $0x7, v3;
	v4 =	vand.u32 $0xFFFFFFE0, v50  }
0x5e: {  	v3 =	vor.u32 v3, v4  }
0x5f: {  	v4 =	vperm.xlane v3, v0;
	_ =	sdelay $0x1  }
0x60: {  	v4 =	vadd.s32 v1, v4;
	_ =	sdelay $0x1  }
0x61: {  	v3 =	vperm.xlane v3, v2;
	_ =	sdelay $0x1  }
0x62: {  	v3 =	vadd.s32 v1, v3  }
0x63: {  	[tilespmem:s14], [sflag:$0x1] =	stream.indirect_vreg.gather [hbm4b:s3+s2], $0x80, v4, vm0, $0xb8;
	[tilespmem:$0x18200] =	vst v63  }
0x64: {  	_ = 	snop  }
0x65: {  	[tilespmem:s15], [sflag:$0x1] =	stream.indirect_vreg.gather [hbm4b:s4+s2], $0x80, v4, vm0, $0xb8;
	[tilespmem:$0x18200] =	vst v63  }
0x66: {  	_ = 	snop  }
0x67: {  	[tilespmem:s16], [sflag:$0x1] =	stream.indirect_vreg.gather [hbm4b:s3+s2], $0x80, v3, vm0, $0xb8;
	[tilespmem:$0x18200] =	vst v63  }
0x68: {  	_ = 	snop  }
0x69: {  	[tilespmem:s17], [sflag:$0x1] =	stream.indirect_vreg.gather [hbm4b:s4+s2], $0x80, v3, vm0, $0xb8;
	[tilespmem:$0x18200] =	vst v63  }
0x6a: {  	v3 =	vld [tilespmem:$0x18030];
	_ =	sdelay $0x4  }
0x6b: {  	v51 =	vshll.u32 v3, $0x2  }
0x6c: {  	v3 =	vand.u32 $0x7, v3;
	v4 =	vand.u32 $0xFFFFFFE0, v51  }
0x6d: {  	v3 =	vor.u32 v3, v4  }
0x6e: {  	v4 =	vperm.xlane v3, v0;
	_ =	sdelay $0x1  }
0x6f: {  	v4 =	vadd.s32 v1, v4;
	_ =	sdelay $0x1  }
0x70: {  	v3 =	vperm.xlane v3, v2;
	_ =	sdelay $0x1  }
0x71: {  	v3 =	vadd.s32 v1, v3  }
0x72: {  	[tilespmem:s18], [sflag:$0x1] =	stream.indirect_vreg.gather [hbm4b:s3+s2], $0x80, v4, vm0, $0xb8;
	[tilespmem:$0x18200] =	vst v63  }
0x73: {  	_ = 	snop  }
0x74: {  	[tilespmem:s19], [sflag:$0x1] =	stream.indirect_vreg.gather [hbm4b:s4+s2], $0x80, v4, vm0, $0xb8;
	[tilespmem:$0x18200] =	vst v63  }
0x75: {  	_ = 	snop  }
0x76: {  	[tilespmem:s20], [sflag:$0x1] =	stream.indirect_vreg.gather [hbm4b:s3+s2], $0x80, v3, vm0, $0xb8;
	[tilespmem:$0x18200] =	vst v63  }
0x77: {  	_ = 	snop  }
0x78: {  	[tilespmem:s21], [sflag:$0x1] =	stream.indirect_vreg.gather [hbm4b:s4+s2], $0x80, v3, vm0, $0xb8;
	[tilespmem:$0x18200] =	vst v63  }
0x79: {  	v3 =	vld [tilespmem:$0x18080];
	_ =	sdelay $0x4  }
0x7a: {  	v52 =	vshll.u32 v3, $0x2  }
0x7b: {  	v3 =	vand.u32 $0x7, v3;
	v4 =	vand.u32 $0xFFFFFFE0, v52  }
0x7c: {  	v3 =	vor.u32 v3, v4  }
0x7d: {  	v4 =	vperm.xlane v3, v0;
	_ =	sdelay $0x1  }
0x7e: {  	v4 =	vadd.s32 v1, v4;
	_ =	sdelay $0x1  }
0x7f: {  	v3 =	vperm.xlane v3, v2;
	_ =	sdelay $0x1  }
0x80: {  	v3 =	vadd.s32 v1, v3  }
0x81: {  	[tilespmem:s22], [sflag:$0x2] =	stream.indirect_vreg.gather [hbm4b:s3+s2], $0x80, v4, vm0, $0xb8;
	[tilespmem:$0x18200] =	vst v63  }
0x82: {  	s0 =	rddreg [dreg:$0xf]  }
0x83: {  	[tilespmem:s0], [sflag:$0x2] =	stream.indirect_vreg.gather [hbm4b:s4+s2], $0x80, v4, vm0, $0xb8;
	[tilespmem:$0x18200] =	vst v63  }
0x84: {  	s24 =	rddreg [dreg:$0x10]  }
0x85: {  	[tilespmem:s24], [sflag:$0x2] =	stream.indirect_vreg.gather [hbm4b:s3+s2], $0x80, v3, vm0, $0xb8;
	[tilespmem:$0x18200] =	vst v63  }
0x86: {  	s0 =	rddreg [dreg:$0x11]  }
0x87: {  	[tilespmem:s0], [sflag:$0x2] =	stream.indirect_vreg.gather [hbm4b:s4+s2], $0x80, v3, vm0, $0xb8;
	[tilespmem:$0x18200] =	vst v63  }
0x88: {  	v3 =	vld [tilespmem:$0x18090];
	_ =	sdelay $0x4  }
0x89: {  	v53 =	vshll.u32 v3, $0x2  }
0x8a: {  	v3 =	vand.u32 $0x7, v3;
	v4 =	vand.u32 $0xFFFFFFE0, v53  }
0x8b: {  	v3 =	vor.u32 v3, v4  }
0x8c: {  	v4 =	vperm.xlane v3, v0;
	_ =	sdelay $0x1  }
0x8d: {  	v4 =	vadd.s32 v1, v4;
	_ =	sdelay $0x1  }
0x8e: {  	v3 =	vperm.xlane v3, v2;
	_ =	sdelay $0x1  }
0x8f: {  	s0 =	rddreg [dreg:$0x12];
	v3 =	vadd.s32 v1, v3  }
0x90: {  	[tilespmem:s0], [sflag:$0x2] =	stream.indirect_vreg.gather [hbm4b:s3+s2], $0x80, v4, vm0, $0xb8;
	[tilespmem:$0x18200] =	vst v63  }
0x91: {  	s24 =	rddreg [dreg:$0x13]  }
0x92: {  	[tilespmem:s24], [sflag:$0x2] =	stream.indirect_vreg.gather [hbm4b:s4+s2], $0x80, v4, vm0, $0xb8;
	[tilespmem:$0x18200] =	vst v63  }
0x93: {  	s0 =	rddreg [dreg:$0x14]  }
0x94: {  	[tilespmem:s0], [sflag:$0x2] =	stream.indirect_vreg.gather [hbm4b:s3+s2], $0x80, v3, vm0, $0xb8;
	[tilespmem:$0x18200] =	vst v63  }
0x95: {  	s24 =	rddreg [dreg:$0x15]  }
0x96: {  	[tilespmem:s24], [sflag:$0x2] =	stream.indirect_vreg.gather [hbm4b:s4+s2], $0x80, v3, vm0, $0xb8;
	[tilespmem:$0x18200] =	vst v63  }
0x97: {  	v3 =	vld [tilespmem:$0x180A0];
	_ =	sdelay $0x4  }
0x98: {  	v54 =	vshll.u32 v3, $0x2  }
0x99: {  	v3 =	vand.u32 $0x7, v3;
	v4 =	vand.u32 $0xFFFFFFE0, v54  }
0x9a: {  	v3 =	vor.u32 v3, v4  }
0x9b: {  	v4 =	vperm.xlane v3, v0;
	_ =	sdelay $0x1  }
0x9c: {  	v4 =	vadd.s32 v1, v4;
	_ =	sdelay $0x1  }
0x9d: {  	v3 =	vperm.xlane v3, v2;
	_ =	sdelay $0x1  }
0x9e: {  	s0 =	rddreg [dreg:$0x16];
	v3 =	vadd.s32 v1, v3  }
0x9f: {  	[tilespmem:s0], [sflag:$0x2] =	stream.indirect_vreg.gather [hbm4b:s3+s2], $0x80, v4, vm0, $0xb8;
	[tilespmem:$0x18200] =	vst v63  }
0xa0: {  	s24 =	rddreg [dreg:$0x17]  }
0xa1: {  	[tilespmem:s24], [sflag:$0x2] =	stream.indirect_vreg.gather [hbm4b:s4+s2], $0x80, v4, vm0, $0xb8;
	[tilespmem:$0x18200] =	vst v63  }
0xa2: {  	s0 =	rddreg [dreg:$0x18]  }
0xa3: {  	[tilespmem:s0], [sflag:$0x2] =	stream.indirect_vreg.gather [hbm4b:s3+s2], $0x80, v3, vm0, $0xb8;
	[tilespmem:$0x18200] =	vst v63  }
0xa4: {  	s24 =	rddreg [dreg:$0x19]  }
0xa5: {  	[tilespmem:s24], [sflag:$0x2] =	stream.indirect_vreg.gather [hbm4b:s4+s2], $0x80, v3, vm0, $0xb8;
	[tilespmem:$0x18200] =	vst v63  }
0xa6: {  	v3 =	vld [tilespmem:$0x180B0];
	_ =	sdelay $0x4  }
0xa7: {  	v55 =	vshll.u32 v3, $0x2  }
0xa8: {  	v3 =	vand.u32 $0x7, v3;
	v4 =	vand.u32 $0xFFFFFFE0, v55  }
0xa9: {  	v3 =	vor.u32 v3, v4  }
0xaa: {  	v4 =	vperm.xlane v3, v0;
	_ =	sdelay $0x1  }
0xab: {  	v4 =	vadd.s32 v1, v4;
	_ =	sdelay $0x1  }
0xac: {  	v3 =	vperm.xlane v3, v2;
	_ =	sdelay $0x1  }
0xad: {  	s0 =	rddreg [dreg:$0x1a];
	v3 =	vadd.s32 v1, v3  }
0xae: {  	[tilespmem:s0], [sflag:$0x2] =	stream.indirect_vreg.gather [hbm4b:s3+s2], $0x80, v4, vm0, $0xb8;
	[tilespmem:$0x18200] =	vst v63  }
0xaf: {  	s24 =	rddreg [dreg:$0x1b]  }
0xb0: {  	[tilespmem:s24], [sflag:$0x2] =	stream.indirect_vreg.gather [hbm4b:s4+s2], $0x80, v4, vm0, $0xb8;
	[tilespmem:$0x18200] =	vst v63  }
0xb1: {  	s0 =	rddreg [dreg:$0x1c]  }
0xb2: {  	[tilespmem:s0], [sflag:$0x2] =	stream.indirect_vreg.gather [hbm4b:s3+s2], $0x80, v3, vm0, $0xb8;
	[tilespmem:$0x18200] =	vst v63  }
0xb3: {  	s24 =	rddreg [dreg:$0x1d]  }
0xb4: {  	[tilespmem:s24], [sflag:$0x2] =	stream.indirect_vreg.gather [hbm4b:s4+s2], $0x80, v3, vm0, $0xb8;
	[tilespmem:$0x18200] =	vst v63  }
0xb5: {  	v3 =	vld [tilespmem:$0x18100];
	_ =	sdelay $0x4  }
0xb6: {  	v56 =	vshll.u32 v3, $0x2  }
0xb7: {  	v3 =	vand.u32 $0x7, v3;
	v4 =	vand.u32 $0xFFFFFFE0, v56  }
0xb8: {  	v3 =	vor.u32 v3, v4  }
0xb9: {  	v4 =	vperm.xlane v3, v0;
	_ =	sdelay $0x1  }
0xba: {  	v4 =	vadd.s32 v1, v4;
	_ =	sdelay $0x1  }
0xbb: {  	v3 =	vperm.xlane v3, v2;
	_ =	sdelay $0x1  }
0xbc: {  	s0 =	rddreg [dreg:$0x1e];
	v3 =	vadd.s32 v1, v3  }
0xbd: {  	[tilespmem:s23], [sflag:$0x3] =	stream.indirect_vreg.gather [hbm4b:s3+s2], $0x80, v4, vm0, $0xb8;
	[tilespmem:$0x18200] =	vst v63  }
0xbe: {  	s24 =	rddreg [dreg:$0x1f]  }
0xbf: {  	[tilespmem:s0], [sflag:$0x3] =	stream.indirect_vreg.gather [hbm4b:s4+s2], $0x80, v4, vm0, $0xb8;
	[tilespmem:$0x18200] =	vst v63  }
0xc0: {  	s0 =	sld [smem:$0x7F5]  }
0xc1: {  	[tilespmem:s24], [sflag:$0x3] =	stream.indirect_vreg.gather [hbm4b:s3+s2], $0x80, v3, vm0, $0xb8;
	[tilespmem:$0x18200] =	vst v63  }
0xc2: {  	_ = 	snop  }
0xc3: {  	[tilespmem:s0], [sflag:$0x3] =	stream.indirect_vreg.gather [hbm4b:s4+s2], $0x80, v3, vm0, $0xb8;
	[tilespmem:$0x18200] =	vst v63  }
0xc4: {  	v3 =	vld [tilespmem:$0x18110];
	_ =	sdelay $0x4  }
0xc5: {  	v57 =	vshll.u32 v3, $0x2  }
0xc6: {  	v3 =	vand.u32 $0x7, v3;
	v4 =	vand.u32 $0xFFFFFFE0, v57  }
0xc7: {  	v3 =	vor.u32 v3, v4  }
0xc8: {  	v4 =	vperm.xlane v3, v0;
	_ =	sdelay $0x1  }
0xc9: {  	v4 =	vadd.s32 v1, v4;
	_ =	sdelay $0x1  }
0xca: {  	s0 =	sld [smem:$0x7F6];
	v3 =	vperm.xlane v3, v2;
	_ =	sdelay $0x1  }
0xcb: {  	s24 =	sld [smem:$0x7F7];
	v3 =	vadd.s32 v1, v3  }
0xcc: {  	[tilespmem:s0], [sflag:$0x3] =	stream.indirect_vreg.gather [hbm4b:s3+s2], $0x80, v4, vm0, $0xb8;
	[tilespmem:$0x18200] =	vst v63  }
0xcd: {  	s0 =	sld [smem:$0x7F8]  }
0xce: {  	[tilespmem:s24], [sflag:$0x3] =	stream.indirect_vreg.gather [hbm4b:s4+s2], $0x80, v4, vm0, $0xb8;
	[tilespmem:$0x18200] =	vst v63  }
0xcf: {  	s24 =	sld [smem:$0x7F9]  }
0xd0: {  	[tilespmem:s0], [sflag:$0x3] =	stream.indirect_vreg.gather [hbm4b:s3+s2], $0x80, v3, vm0, $0xb8;
	[tilespmem:$0x18200] =	vst v63  }
0xd1: {  	_ = 	snop  }
0xd2: {  	[tilespmem:s24], [sflag:$0x3] =	stream.indirect_vreg.gather [hbm4b:s4+s2], $0x80, v3, vm0, $0xb8;
	[tilespmem:$0x18200] =	vst v63  }
0xd3: {  	v3 =	vld [tilespmem:$0x18120];
	_ =	sdelay $0x4  }
0xd4: {  	v58 =	vshll.u32 v3, $0x2  }
0xd5: {  	v3 =	vand.u32 $0x7, v3;
	v4 =	vand.u32 $0xFFFFFFE0, v58  }
0xd6: {  	v3 =	vor.u32 v3, v4  }
0xd7: {  	v4 =	vperm.xlane v3, v0;
	_ =	sdelay $0x1  }
0xd8: {  	v4 =	vadd.s32 v1, v4;
	_ =	sdelay $0x1  }
0xd9: {  	s0 =	sld [smem:$0x7FA];
	v3 =	vperm.xlane v3, v2;
	_ =	sdelay $0x1  }
0xda: {  	s24 =	sld [smem:$0x7FB];
	v3 =	vadd.s32 v1, v3  }
0xdb: {  	[tilespmem:s0], [sflag:$0x3] =	stream.indirect_vreg.gather [hbm4b:s3+s2], $0x80, v4, vm0, $0xb8;
	[tilespmem:$0x18200] =	vst v63  }
0xdc: {  	s0 =	sld [smem:$0x7FC]  }
0xdd: {  	[tilespmem:s24], [sflag:$0x3] =	stream.indirect_vreg.gather [hbm4b:s4+s2], $0x80, v4, vm0, $0xb8;
	[tilespmem:$0x18200] =	vst v63  }
0xde: {  	s24 =	sld [smem:$0x7FD]  }
0xdf: {  	[tilespmem:s0], [sflag:$0x3] =	stream.indirect_vreg.gather [hbm4b:s3+s2], $0x80, v3, vm0, $0xb8;
	[tilespmem:$0x18200] =	vst v63  }
0xe0: {  	_ = 	snop  }
0xe1: {  	[tilespmem:s24], [sflag:$0x3] =	stream.indirect_vreg.gather [hbm4b:s4+s2], $0x80, v3, vm0, $0xb8;
	[tilespmem:$0x18200] =	vst v63  }
0xe2: {  	v3 =	vld [tilespmem:$0x18130];
	_ =	sdelay $0x4  }
0xe3: {  	v59 =	vshll.u32 v3, $0x2  }
0xe4: {  	v3 =	vand.u32 $0x7, v3;
	v4 =	vand.u32 $0xFFFFFFE0, v59  }
0xe5: {  	v3 =	vor.u32 v3, v4  }
0xe6: {  	v4 =	vperm.xlane v3, v0;
	_ =	sdelay $0x1  }
0xe7: {  	v4 =	vadd.s32 v1, v4;
	_ =	sdelay $0x1  }
0xe8: {  	v3 =	vperm.xlane v3, v2;
	_ =	sdelay $0x1  }
0xe9: {  	s24 =	simm.s32 $0x16000;
	v3 =	vadd.s32 v1, v3  }
0xea: {  	[tilespmem:s24], [sflag:$0x3] =	stream.indirect_vreg.gather [hbm4b:s3+s2], $0x80, v4, vm0, $0xb8;
	[tilespmem:$0x18200] =	vst v63  }
0xeb: {  	_ = 	snop  }
0xec: {  	[tilespmem:s25], [sflag:$0x3] =	stream.indirect_vreg.gather [hbm4b:s4+s2], $0x80, v4, vm0, $0xb8;
	[tilespmem:$0x18200] =	vst v63  }
0xed: {  	_ = 	snop  }
0xee: {  	[tilespmem:s26], [sflag:$0x3] =	stream.indirect_vreg.gather [hbm4b:s3+s2], $0x80, v3, vm0, $0xb8;
	[tilespmem:$0x18200] =	vst v63  }
0xef: {  	_ = 	snop  }
0xf0: {  	[tilespmem:s28], [sflag:$0x3] =	stream.indirect_vreg.gather [hbm4b:s4+s2], $0x80, v3, vm0, $0xb8;
	[tilespmem:$0x18200] =	vst v63  }
0xf1: {  	_ =	swait.ge [sflag:s29], $0x8000  }
0xf2: {  	[sflag:s29] =	ssyncset.done $0x0  }
0xf3: {  	s24 =	rddreg [dreg:$0x7];
	[sflag:s29] =	ssyncadd.s32 $0xFFFF8000  }
0xf4: {  	[hbm4b:s24+s2] =	stream.linear.scatter [tilespmem:s2], [sflag:$0x5], $0x8000, $0x38;
	[tilespmem:$0x18200] =	vst v63  }
0xf5: {  	_ =	swait.ge [sflag:s6], $0x8000  }
0xf6: {  	[sflag:s6] =	ssyncset.done $0x0  }
0xf7: {  	[sflag:s6] =	ssyncadd.s32 $0xFFFF8000  }
0xf8: {  	v3 =	vld [tilespmem:$0x18180];
	_ =	sdelay $0x4  }
0xf9: {  	v60 =	vshll.u32 v3, $0x2  }
0xfa: {  	v3 =	vand.u32 $0x7, v3;
	v4 =	vand.u32 $0xFFFFFFE0, v60  }
0xfb: {  	v3 =	vor.u32 v3, v4  }
0xfc: {  	v4 =	vperm.xlane v3, v0;
	_ =	sdelay $0x1  }
0xfd: {  	v4 =	vadd.s32 v1, v4;
	_ =	sdelay $0x1  }
0xfe: {  	v3 =	vperm.xlane v3, v2;
	_ =	sdelay $0x1  }
0xff: {  	v3 =	vadd.s32 v1, v3  }
0x100: {  	[tilespmem:s2], [sflag:$0x4] =	stream.indirect_vreg.gather [hbm4b:s3+s2], $0x80, v4, vm0, $0xb8;
	[tilespmem:$0x18200] =	vst v63  }
0x101: {  	_ = 	snop  }
0x102: {  	[tilespmem:s7], [sflag:$0x4] =	stream.indirect_vreg.gather [hbm4b:s4+s2], $0x80, v4, vm0, $0xb8;
	[tilespmem:$0x18200] =	vst v63  }
0x103: {  	_ = 	snop  }
0x104: {  	[tilespmem:s8], [sflag:$0x4] =	stream.indirect_vreg.gather [hbm4b:s3+s2], $0x80, v3, vm0, $0xb8;
	[tilespmem:$0x18200] =	vst v63  }
0x105: {  	_ = 	snop  }
0x106: {  	[tilespmem:s9], [sflag:$0x4] =	stream.indirect_vreg.gather [hbm4b:s4+s2], $0x80, v3, vm0, $0xb8;
	[tilespmem:$0x18200] =	vst v63  }
0x107: {  	v3 =	vld [tilespmem:$0x18190];
	_ =	sdelay $0x4  }
0x108: {  	v61 =	vshll.u32 v3, $0x2  }
0x109: {  	v3 =	vand.u32 $0x7, v3;
	v4 =	vand.u32 $0xFFFFFFE0, v61  }
0x10a: {  	v3 =	vor.u32 v3, v4  }
0x10b: {  	v4 =	vperm.xlane v3, v0;
	_ =	sdelay $0x1  }
0x10c: {  	v4 =	vadd.s32 v1, v4;
	_ =	sdelay $0x1  }
0x10d: {  	v3 =	vperm.xlane v3, v2;
	_ =	sdelay $0x1  }
0x10e: {  	v3 =	vadd.s32 v1, v3  }
0x10f: {  	[tilespmem:s10], [sflag:$0x4] =	stream.indirect_vreg.gather [hbm4b:s3+s2], $0x80, v4, vm0, $0xb8;
	[tilespmem:$0x18200] =	vst v63  }
0x110: {  	_ = 	snop  }
0x111: {  	[tilespmem:s11], [sflag:$0x4] =	stream.indirect_vreg.gather [hbm4b:s4+s2], $0x80, v4, vm0, $0xb8;
	[tilespmem:$0x18200] =	vst v63  }
0x112: {  	_ = 	snop  }
0x113: {  	[tilespmem:s12], [sflag:$0x4] =	stream.indirect_vreg.gather [hbm4b:s3+s2], $0x80, v3, vm0, $0xb8;
	[tilespmem:$0x18200] =	vst v63  }
0x114: {  	_ = 	snop  }
0x115: {  	[tilespmem:s13], [sflag:$0x4] =	stream.indirect_vreg.gather [hbm4b:s4+s2], $0x80, v3, vm0, $0xb8;
	[tilespmem:$0x18200] =	vst v63  }
0x116: {  	v3 =	vld [tilespmem:$0x181A0];
	_ =	sdelay $0x4  }
0x117: {  	v62 =	vshll.u32 v3, $0x2  }
0x118: {  	v3 =	vand.u32 $0x7, v3;
	v4 =	vand.u32 $0xFFFFFFE0, v62  }
0x119: {  	v3 =	vor.u32 v3, v4  }
0x11a: {  	v4 =	vperm.xlane v3, v0;
	_ =	sdelay $0x1  }
0x11b: {  	v4 =	vadd.s32 v1, v4;
	_ =	sdelay $0x1  }
0x11c: {  	v3 =	vperm.xlane v3, v2;
	_ =	sdelay $0x1  }
0x11d: {  	v3 =	vadd.s32 v1, v3  }
0x11e: {  	[tilespmem:s14], [sflag:$0x4] =	stream.indirect_vreg.gather [hbm4b:s3+s2], $0x80, v4, vm0, $0xb8;
	[tilespmem:$0x18200] =	vst v63  }
0x11f: {  	_ = 	snop  }
0x120: {  	[tilespmem:s15], [sflag:$0x4] =	stream.indirect_vreg.gather [hbm4b:s4+s2], $0x80, v4, vm0, $0xb8;
	[tilespmem:$0x18200] =	vst v63  }
0x121: {  	_ = 	snop  }
0x122: {  	[tilespmem:s16], [sflag:$0x4] =	stream.indirect_vreg.gather [hbm4b:s3+s2], $0x80, v3, vm0, $0xb8;
	[tilespmem:$0x18200] =	vst v63  }
0x123: {  	_ = 	snop  }
0x124: {  	[tilespmem:s17], [sflag:$0x4] =	stream.indirect_vreg.gather [hbm4b:s4+s2], $0x80, v3, vm0, $0xb8;
	[tilespmem:$0x18200] =	vst v63  }
0x125: {  	v3 =	vld [tilespmem:$0x181B0];
	_ =	sdelay $0x4  }
0x126: {  	v63 =	vshll.u32 v3, $0x2  }
0x127: {  	v3 =	vand.u32 $0x7, v3;
	v4 =	vand.u32 $0xFFFFFFE0, v63  }
0x128: {  	v3 =	vor.u32 v3, v4  }
0x129: {  	v4 =	vperm.xlane v3, v0;
	_ =	sdelay $0x1  }
0x12a: {  	v4 =	vadd.s32 v1, v4;
	_ =	sdelay $0x1  }
0x12b: {  	v3 =	vperm.xlane v3, v2;
	_ =	sdelay $0x1  }
0x12c: {  	v3 =	vadd.s32 v1, v3  }
0x12d: {  	[tilespmem:s18], [sflag:$0x4] =	stream.indirect_vreg.gather [hbm4b:s3+s2], $0x80, v4, vm0, $0xb8;
	[tilespmem:$0x18200] =	vst v63  }
0x12e: {  	_ = 	snop  }
0x12f: {  	[tilespmem:s19], [sflag:$0x4] =	stream.indirect_vreg.gather [hbm4b:s4+s2], $0x80, v4, vm0, $0xb8;
	[tilespmem:$0x18200] =	vst v63  }
0x130: {  	_ = 	snop  }
0x131: {  	[tilespmem:s20], [sflag:$0x4] =	stream.indirect_vreg.gather [hbm4b:s3+s2], $0x80, v3, vm0, $0xb8;
	[tilespmem:$0x18200] =	vst v63  }
0x132: {  	_ = 	snop  }
0x133: {  	[tilespmem:s21], [sflag:$0x4] =	stream.indirect_vreg.gather [hbm4b:s4+s2], $0x80, v3, vm0, $0xb8;
	[tilespmem:$0x18200] =	vst v63  }
0x134: {  	_ =	swait.ge [sflag:s30], $0x8000  }
0x135: {  	[sflag:s30] =	ssyncset.done $0x0  }
0x136: {  	s24 =	rddreg [dreg:$0x8];
	[sflag:s30] =	ssyncadd.s32 $0xFFFF8000  }
0x137: {  	[hbm4b:s24+s2] =	stream.linear.scatter [tilespmem:s22], [sflag:$0x5], $0x8000, $0x38;
	[tilespmem:$0x18200] =	vst v63  }
0x138: {  	_ =	swait.ge [sflag:s6], $0x8000  }
0x139: {  	[sflag:s6] =	ssyncset.done $0x0  }
0x13a: {  	[sflag:s6] =	ssyncadd.s32 $0xFFFF8000  }
0x13b: {  	_ =	swait.ge [sflag:s31], $0x8000  }
0x13c: {  	[sflag:s31] =	ssyncset.done $0x0  }
0x13d: {  	s24 =	rddreg [dreg:$0x9];
	[sflag:s31] =	ssyncadd.s32 $0xFFFF8000  }
0x13e: {  	[hbm4b:s24+s2] =	stream.linear.scatter [tilespmem:s23], [sflag:$0x5], $0x8000, $0x38;
	[tilespmem:$0x18200] =	vst v63  }
0x13f: {  	_ =	swait.ge [sflag:s6], $0x8000  }
0x140: {  	[sflag:s6] =	ssyncset.done $0x0  }
0x141: {  	[sflag:s6] =	ssyncadd.s32 $0xFFFF8000  }
0x142: {  	_ =	swait.ge [sflag:s1], $0x8000  }
0x143: {  	p0 =	sne.s32 s5, $0x1;
	[sflag:s1] =	ssyncset.done $0x0  }
.Ltmp0:
0x144: {  	s24 =	rddreg [dreg:$0xa];
	[sflag:s1] =	ssyncadd.s32 $0xFFFF8000;
	(pc) =	sbr.rel @p0 .LBB2_1-.Ltmp0, $4  }
0x145: {  	[hbm4b:s24+s2] =	stream.linear.scatter [tilespmem:s2], [sflag:$0x5], $0x8000, $0x38;
	[tilespmem:$0x18200] =	vst v63  }
0x146: {  	_ =	swait.ge [sflag:s6], $0x8000  }
0x147: {  	[sflag:s6] =	ssyncset.done $0x0  }
0x148: {  	s5 =	sadd.s32 $0xFFFFFFFF, s5;
	[sflag:s6] =	ssyncadd.s32 $0xFFFF8000  }
0x149: {  	_ =	sfence.sel $0x180000  }
0x14a: {  	[bflag:$0x0] =	sbarrier.arrive $0xFFFF  }
0x14b: {  	_ =	strace $0x9000004A  }
0x14c: {  	s0 =	stileid.u32;
	[bflag:$0x2] =	sbarrier.arrive $0xFFFF  }
0x14d: {  	p0 =	sne.s32 s0, $0x0;
	s0 =	rddreg [dreg:$0x2]  }
0x14e: {  	s0 =	sadd.s32 @!p0 $0x100000, s0  }
0x14f: {  	[sflag:s0] =	ssyncadd.tile.s32 @!p0 $0x1;
	_ =	shalt  }
.Lfunc_end2:
_tile_overlayer_lowered:
.L_overlay_start_2:
0x150: {  	(tag) =	ssettag $0x2  }
0x151: {  	s0 =	rddreg [dreg:$0x0];
	s2 =	stileid.u32  }
0x152: {  	s1 =	rddreg [dreg:$0x1];
	p0 =	sne.s32 s2, $0x0  }
0x153: {  	s3 =	rddreg [dreg:$0x2];
	[bflag:$0x3] =	sbarrier.arrive $0xFFFF;
	s2 =	simm.s32 @!p0 $0x1C05  }
0x154: {  	[timem:s3], [sflag:s2] =	dma.local @!p0 [hbm:s0], s1  }
0x155: {  	s0 =	simm.s32 @!p0 $0x5  }
0x156: {  	_ =	swait.ge @!p0 [sflag:s0], s1  }
0x157: {  	s1 =	ssub.s32 @!p0 $0x0, s1;
	[sflag:s0] =	ssyncset.done @!p0 $0x0  }
0x158: {  	[sflag:s0] =	ssyncadd.s32 @!p0 s1  }
0x159: {  	[bflag:$0x3] =	sbarrier.arrive $0xFFFF  }
0x15a: {  	_ =	shalt  }

// kernel: kernel.8.cloned.1.call-start
scs
__scs_entry_jumppad:
0x0: {  	(pc) =	sbr.rel $0x88, $3  }
0x1: {  	(tag) =	ssettag $0x0;
	lr =	simm.s32 $0x1  }
0x2: {  	[smem:$0x3F98] =	sst lr;
	_ =	strace $0xD0000000  }
0x3: {  	_ = 	snop  }
0x4: {  	_ = 	snop  }
0x5: {  	_ = 	snop  }
0x6: {  	_ = 	snop  }
0x7: {  	_ = 	snop  }
__scs_overlays_trampoline_lowered:
0x8: {  	[smem:$0x3FA7] =	sst s0  }
0x9: {  	[smem:$0x3FA8] =	sst s1  }
0xa: {  	[smem:$0x3FA9] =	sst s2  }
0xb: {  	[smem:$0x3FAA] =	sst s3  }
0xc: {  	[smem:$0x3FAB] =	sst s4  }
0xd: {  	[smem:$0x3FAC] =	sst s5  }
0xe: {  	[smem:$0x3FAD] =	sst s6  }
0xf: {  	[smem:$0x3FAE] =	sst s7  }
0x10: {  	[smem:$0x3FAF] =	sst s8  }
0x11: {  	[smem:$0x3FB0] =	sst s9;
	s0 =	simm.s32 @!p0 $0x0  }
0x12: {  	s1 =	sld [smem:$0x3F96];
	s0 =	simm.s32 @p0 $0x1  }
0x13: {  	[smem:$0x3FB1] =	sst s0;
	s0 =	simm.s32 @!p1 $0x0  }
0x14: {  	s2 =	sld [smem:$0x3F95];
	s0 =	simm.s32 @p1 $0x1  }
0x15: {  	[smem:$0x3FB2] =	sst s0;
	s0 =	simm.s32 @!p2 $0x0  }
0x16: {  	s3 =	sld [smem:$0x3FDB];
	s0 =	simm.s32 @p2 $0x1  }
0x17: {  	s4 =	simm.s32 $0x1BF5;
	[smem:$0x3FB4] =	sst s0  }
0x18: {  	s0 =	sld [smem:$0x3F97];
	_ =	swait.ge [sflag:s4], $0x0  }
0x19: {  	s7 =	sld [smem:$0x3F98]  }
0x1a: {  	s8 =	sadd.s32 $0xFFFFE003, lr  }
0x1b: {  	s9 =	sadd.s32 $0xFFFFFEF7, lr;
	s5 =	simm.s32 $0xFFFFFFFF;
	p2 =	slt.u32 s8, $0xFFFFF086  }
0x1c: {  	p1 =	slt.u32 s9, $0xF7A;
	s5 =	simm.s32 @!p2 $0x0  }
0x1d: {  	s5 =	simm.s32 @p1 $0x1;
	p0 =	seq.s32 s7, s2  }
0x1e: {  	s7 =	smul.u32 @!p0 $0xF7A, s2;
	p2 =	seq.s32 @!p0 s5, $0x0  }
0x1f: {  	s9 =	smul.u32 $0xF7A, s1;
	s8 =	simm.s32 @!p0 $0x1BF5;
	p2 =	por !p2, p0  }
0x20: {  	[sflag:s8] =	ssyncset.s32 @!p0 $0xFFFFF086;
	s6 =	sadd.s32 @!p0 s3, s7;
	s7 =	simm.s32 @!p0 $0x108  }
0x21: {  	s3 =	sadd.s32 s3, s9;
	s6 =	sadd.s32 @!p0 $0x88, s6;
	s7 =	simm.s32 @p2 $0x1082  }
0x22: {  	[simem:s7], [sflag:s8] =	dma.local @!p0 [hbm:s6], $0xF7A  }
0x23: {  	s9 =	sor.u32 $0xD0000000, s2;
	s6 =	simm.s32 $0x108;
	_ =	swait.ge @!p0 [sflag:s8], $0x0  }
0x24: {  	s3 =	sadd.s32 $0x88, s3;
	s6 =	simm.s32 @!p1 $0x1082;
	[sflag:s4] =	ssyncset.s32 $0xFFFFF086  }
0x25: {  	[simem:s6], [sflag:s4] =	dma.local [hbm:s3], $0xF7A  }
0x26: {  	[smem:$0x3F98] =	sst s1;
	(tag) =	ssettag s2;
	_ =	strace s9  }
0x27: {  	s1 =	sld [smem:$0x3FA8]  }
0x28: {  	s2 =	sld [smem:$0x3FA9]  }
0x29: {  	s4 =	sld [smem:$0x3FAB]  }
0x2a: {  	p0 =	seq.s32 s5, $0x0;
	s5 =	sld [smem:$0x3FAC]  }
0x2b: {  	s6 =	sld [smem:$0x3FAD]  }
0x2c: {  	s7 =	sld [smem:$0x3FAE]  }
0x2d: {  	s3 =	simm.s32 $0x108;
	s8 =	sld [smem:$0x3FAF]  }
0x2e: {  	s3 =	simm.s32 @!p0 $0x1082;
	s9 =	sld [smem:$0x3FB0]  }
0x2f: {  	lr =	sadd.s32 s0, s3;
	s0 =	sld [smem:$0x3FA7]  }
0x30: {  	s3 =	sld [smem:$0x3FAA]  }
0x31: {  	[smem:$0x3FB3] =	sst s10  }
0x32: {  	s10 =	sld [smem:$0x3FB1];
	_ =	sdelay $0x3  }
0x33: {  	p0 =	seq.s32 s10, $0x1;
	s10 =	sld [smem:$0x3FB3];
	_ =	sdelay $0x3  }
0x34: {  	[smem:$0x3FB3] =	sst s10  }
0x35: {  	s10 =	sld [smem:$0x3FB2];
	_ =	sdelay $0x3  }
0x36: {  	p1 =	seq.s32 s10, $0x1;
	s10 =	sld [smem:$0x3FB3];
	_ =	sdelay $0x3  }
0x37: {  	[smem:$0x3FB3] =	sst s10  }
0x38: {  	s10 =	sld [smem:$0x3FB4]  }
0x39: {  	_ = 	snop;
	(pc) =	sbr.ind lr, $3  }
0x3a: {  	_ = 	snop  }
0x3b: {  	_ = 	snop  }
0x3c: {  	p2 =	seq.s32 s10, $0x1;
	s10 =	sld [smem:$0x3FB3]  }
0x3d: {  	_ =	shalt  }
0x3e: {  	_ =	shalt  }
0x3f: {  	_ =	shalt  }
0x40: {  	_ =	shalt  }
0x41: {  	_ =	shalt  }
0x42: {  	_ =	shalt  }
0x43: {  	_ =	shalt  }
0x44: {  	_ =	shalt  }
0x45: {  	_ =	shalt  }
0x46: {  	_ =	shalt  }
0x47: {  	_ =	shalt  }
0x48: {  	_ =	shalt  }
0x49: {  	_ =	shalt  }
0x4a: {  	_ =	shalt  }
0x4b: {  	_ =	shalt  }
0x4c: {  	_ =	shalt  }
0x4d: {  	_ =	shalt  }
0x4e: {  	_ =	shalt  }
0x4f: {  	_ =	shalt  }
0x50: {  	_ =	shalt  }
0x51: {  	_ =	shalt  }
0x52: {  	_ =	shalt  }
0x53: {  	_ =	shalt  }
0x54: {  	_ =	shalt  }
0x55: {  	_ =	shalt  }
0x56: {  	_ =	shalt  }
0x57: {  	_ =	shalt  }
0x58: {  	_ =	shalt  }
0x59: {  	_ =	shalt  }
0x5a: {  	_ =	shalt  }
0x5b: {  	_ =	shalt  }
0x5c: {  	_ =	shalt  }
0x5d: {  	_ =	shalt  }
0x5e: {  	_ =	shalt  }
0x5f: {  	_ =	shalt  }
0x60: {  	_ =	shalt  }
0x61: {  	_ =	shalt  }
0x62: {  	_ =	shalt  }
0x63: {  	_ =	shalt  }
0x64: {  	_ =	shalt  }
0x65: {  	_ =	shalt  }
0x66: {  	_ =	shalt  }
0x67: {  	_ =	shalt  }
0x68: {  	_ =	shalt  }
0x69: {  	_ =	shalt  }
0x6a: {  	_ =	shalt  }
0x6b: {  	_ =	shalt  }
0x6c: {  	_ =	shalt  }
0x6d: {  	_ =	shalt  }
0x6e: {  	_ =	shalt  }
0x6f: {  	_ =	shalt  }
0x70: {  	_ =	shalt  }
0x71: {  	_ =	shalt  }
0x72: {  	_ =	shalt  }
0x73: {  	_ =	shalt  }
0x74: {  	_ =	shalt  }
0x75: {  	_ =	shalt  }
0x76: {  	_ =	shalt  }
0x77: {  	_ =	shalt  }
0x78: {  	_ =	shalt  }
0x79: {  	_ =	shalt  }
0x7a: {  	_ =	shalt  }
0x7b: {  	_ =	shalt  }
0x7c: {  	_ =	shalt  }
0x7d: {  	_ =	shalt  }
0x7e: {  	_ =	shalt  }
0x7f: {  	_ =	shalt  }
0x80: {  	_ =	shalt  }
0x81: {  	_ =	shalt  }
0x82: {  	_ =	shalt  }
0x83: {  	_ =	shalt  }
0x84: {  	_ =	shalt  }
0x85: {  	_ =	shalt  }
0x86: {  	_ =	shalt  }
0x87: {  	_ =	shalt  }
.Lfunc_end0:
.L_simem_size_0:
called_computation_lowered:
.L_overlay_start_0:
0x88: {  	s2 =	sld [smem:$0x3FD9]  }
0x89: {  	s3 =	sld [smem:$0x3FFE];
	_ =	sdelay $0x1  }
0x8a: {  	s1 =	srdreg.scid  }
0x8b: {  	s0 =	sand.u32 $0x1, s1  }
0x8c: {  	s17 =	sshll.u32 s0, $0xA;
	s2 =	sadd.s32 s3, s2  }
0x8d: {  	s2 =	sadd.s32 s2, s17  }
0x8e: {  	[smem:$0x3FBF] =	sst s2  }
0x8f: {  	_ = 	snop  }
0x90: {  	s2 =	sld [smem:$0x3FD0];
	(tm) =	ssettm $0x1  }
0x91: {  	s18 =	sld [smem:$0x3FFB];
	_ =	sdelay $0x3  }
0x92: {  	_ =	strace s18  }
0x93: {  	s3 =	sld [smem:$0x3FFC];
	_ =	sdelay $0x3  }
0x94: {  	_ =	strace s3  }
0x95: {  	s3 =	sld [smem:$0x3FFD];
	_ =	sdelay $0x3  }
0x96: {  	_ =	strace s3  }
0x97: {  	_ =	strace $0x8FFFFFFF  }
0x98: {  	s19 =	sld [smem:$0x3FDB];
	_ =	sdelay $0x1  }
0x99: {  	s4 =	simm.s32 $_scs_section_size  }
0x9a: {  	s5 =	simm.s32 $_size__tile_overlayer_lowered;
	s6 =	simm.s32 $_tile_overlayer_lowered  }
0x9b: {  	s22 =	simm.s32 $0x1BFF;
	s21 =	sshll.u32 s6, $0x1;
	s3 =	sadd.s32 s4, s19  }
0x9c: {  	s7 =	simm.s32 $0x0;
	s20 =	sshll.u32 s5, $0x1;
	s5 =	sadd.s32 s21, s3  }
0x9d: {  	[timem:s7], [sflag:s22] =	dma.local [hbm:s5], s20  }
0x9e: {  	_ =	swait.ge [sflag:s22], s20  }
0x9f: {  	s4 =	ssub.s32 $0x0, s20;
	[sflag:s22] =	ssyncset.done $0x0  }
0xa0: {  	[sflag:s22] =	ssyncadd.s32 s4;
	_ =	sdelay $0x1  }
0xa1: {  	s23 =	simm.s32 $0x1B8B  }
0xa2: {  	_ =	swait.ge [sflag:s23], $0x1  }
0xa3: {  	[sflag:s23] =	ssyncset.done $0x0  }
0xa4: {  	s25 =	simm.s32 $0x1B8E;
	s24 =	sld [smem:$0x3FFE];
	[sflag:s23] =	ssyncadd.s32 $0xFFFFFFFF  }
0xa5: {  	s26 =	simm.s32 $execute0_lowered;
	[smem:$0x3FD2] =	sst s25  }
0xa6: {  	s5 =	sshll.u32 s26, $0x1;
	_ =	strace $0x80000046;
	[dreg:$0x1] =	wrdreg $0xFFFFFFFF  }
0xa7: {  	s28 =	simm.s32 $_size_execute0_lowered;
	s3 =	sadd.s32 s3, s5;
	[dreg:$0x0] =	wrdreg $0x0  }
0xa8: {  	s5 =	sshll.u32 s28, $0x1;
	[dreg:$0x2] =	wrdreg s3  }
0xa9: {  	[dreg:$0x3] =	wrdreg s5  }
0xaa: {  	[dreg:$0x4] =	wrdreg $0xC0  }
0xab: {  	_ =	task [dreg:s7], $0x5FFFF  }
0xac: {  	[dreg:$0x1] =	wrdreg $0xFFFFFFFF  }
0xad: {  	[dreg:$0x0] =	wrdreg $0x60  }
0xae: {  	[dreg:$0x2] =	wrdreg s2  }
0xaf: {  	[dreg:$0x3] =	wrdreg s24  }
0xb0: {  	[dreg:$0x4] =	wrdreg $0x9  }
0xb1: {  	_ =	task.clear_ibuf [dreg:s7], $0x5FFFF;
	_ =	strace $0x90000046  }
0xb2: {  	s29 =	simm.s32 $0x9;
	_ =	strace $0x80000048  }
0xb3: {  	_ =	swait.ge [sflag:s29], $0x1  }
0xb4: {  	[sflag:s29] =	ssyncadd.s32 $0xFFFFFFFF  }
0xb5: {  	_ =	strace $0x90000048  }
0xb6: {  	_ =	sfence  }
0xb7: {  	s30 =	sld [smem:$0x0];
	_ =	sdelay $0x2  }
0xb8: {  	s31 =	sshll.u32 s1, $0xD;
	s1 =	sshrl.u32 s1, $0x2  }
0xb9: {  	s3 =	sand.u32 $0x4000, s31;
	s1 =	sadd.s32 s1, s30  }
0xba: {  	s0 =	sor.u32 s3, s0;
	s1 =	sshll.u32 s1, $0x11  }
0xbb: {  	s0 =	sor.u32 s1, s0  }
0xbc: {  	s0 =	sadd.s32 $0x8F2B, s0  }
0xbd: {  	[sflag:s0] =	ssyncadd.remote.s32 $0x1  }
0xbe: {  	_ =	sfence.sel $0xFFFF  }
0xbf: {  	[dreg:$0x0] =	wrdreg $0xFFFFFFFF;
	(pc) =	sbr.abs _section_cstart, $3  }
0xc0: {  	[dreg:$0x1] =	wrdreg $0xFFFFFFFF  }
0xc1: {  	_ =	task.clear_ibuf [dreg:s7], $0x2FFFF;
	_ =	strace $0x9FFFFFFF  }
0xc2: {  	(tm) =	ssettm $0x7FFFFFFF  }
0xc3: {  	_ =	shalt  }
tec
execute0_lowered:
.L_overlay_start_1:
0x0: {  	(tag) =	ssettag $0x1  }
0x1: {  	s4 =	rddreg [dreg:$0x0]  }
0x2: {  	s1 =	srdreg.scid;
	s0 =	stileid.u32  }
0x3: {  	s7 =	rddreg [dreg:$0x1];
	s2 =	simm.s32 $0x0;
	s12 =	simm.s32 $0x2  }
0x4: {  	s13 =	simm.s32 $0x8000;
	s14 =	simm.s32 $0x8080;
	s15 =	simm.s32 $0x800  }
0x5: {  	s16 =	simm.s32 $0x1000;
	s17 =	simm.s32 $0x1800;
	s18 =	simm.s32 $0x2000  }
0x6: {  	s19 =	simm.s32 $0x2800;
	s20 =	simm.s32 $0x3000;
	s21 =	simm.s32 $0x3800  }
0x7: {  	s22 =	simm.s32 $0x4000;
	s23 =	simm.s32 $0x4800;
	s24 =	simm.s32 $0x5000  }
0x8: {  	s25 =	simm.s32 $0x5800;
	s28 =	simm.s32 $0x6800;
	s29 =	simm.s32 $0x7000  }
0x9: {  	s30 =	simm.s32 $0x7800;
	s3 =	sand.u32 $0x1, s1;
	s1 =	rddreg [dreg:$0x2]  }
0xa: {  	s31 =	simm.s32 $0x1;
	s5 =	sshll.u32 s0, $0x1;
	[smem:$0x7FF] =	sst s2  }
0xb: {  	s5 =	sor.u32 s3, s5;
	s8 =	ssub.s32 $0x2, s3;
	_ =	strace $0x80000047  }
0xc: {  	s3 =	sadd.s32 $0x12600, s7;
	s6 =	sshll.u32 s5, $0x6;
	s26 =	sshrl.u32 s8, $0x1  }
0xd: {  	s5 =	sshll.u32 s5, $0xD;
	s10 =	sadd.s32 s6, s7;
	s11 =	ssub.s32 s8, s26  }
0xe: {  	v2 =	vlaneseq.u32;
	s4 =	sadd.s32 s4, s5;
	s7 =	sadd.s32 $0x12700, s7;
	s26 =	simm.s32 $0x6000  }
0xf: {  	vm0 =	vmmov $0xffff;
	v1 =	vshrl.u32 v2, $0x3;
	s5 =	sadd.s32 $0x11E00, s10;
	s6 =	sadd.s32 $0x11E10, s10;
	s8 =	sadd.s32 $0x1000, s4  }
0x10: {  	v0 =	vand.u32 $0x7, v2;
	v2 =	vor.u32 $0x8, v2;
	v1 =	vmul.u32 $0x8, v1;
	s9 =	sadd.s32 $0x11E20, s10;
	s10 =	sadd.s32 $0x11E30, s10;
	s11 =	smax.u32 s11, $0x1  }
.LBB2_1:
0x11: {  	[tilespmem:s2], [sflag:$0x2] =	stream.linear.gather [hbm4b:s4+s2], $0x8000, $0x38;
	[tilespmem:$0x8100] =	vst v63  }
0x12: {  	_ =	swait.ge [sflag:s12], $0x8000  }
0x13: {  	[sflag:s12] =	ssyncset.done $0x0  }
0x14: {  	[sflag:s12] =	ssyncadd.s32 $0xFFFF8000  }
0x15: {  	[tilespmem:s13], [sflag:$0x2] =	stream.linear.gather [hbm4b:s5+s2], $0x80, $0x38;
	[tilespmem:$0x8100] =	vst v63  }
0x16: {  	_ =	swait.ge [sflag:s12], $0x80  }
0x17: {  	[sflag:s12] =	ssyncset.done $0x0  }
0x18: {  	[sflag:s12] =	ssyncadd.s32 $0xFFFFFF80  }
0x19: {  	[tilespmem:s14], [sflag:$0x2] =	stream.linear.gather [hbm4b:s6+s2], $0x80, $0x38;
	[tilespmem:$0x8100] =	vst v63  }
0x1a: {  	_ =	swait.ge [sflag:s12], $0x80  }
0x1b: {  	[sflag:s12] =	ssyncset.done $0x0  }
0x1c: {  	[sflag:s12] =	ssyncadd.s32 $0xFFFFFF80  }
0x1d: {  	v3 =	vld [tilespmem:$0x8000];
	_ =	sdelay $0x4  }
0x1e: {  	v4 =	vshll.u32 v3, $0x2  }
0x1f: {  	v3 =	vand.u32 $0x7, v3;
	v4 =	vand.u32 $0xFFFFFFE0, v4  }
0x20: {  	v3 =	vor.u32 v3, v4  }
0x21: {  	v4 =	vperm.xlane v3, v0;
	_ =	sdelay $0x1  }
0x22: {  	v4 =	vadd.s32 v1, v4;
	_ =	sdelay $0x1  }
0x23: {  	v3 =	vperm.xlane v3, v2;
	_ =	sdelay $0x1  }
0x24: {  	v3 =	vadd.s32 v1, v3  }
0x25: {  	[hbm4b:s3+s2] =	stream.indirect_vreg.scatter [tilespmem:s2], [sflag:$0x1], $0x80, v4, vm0, $0xb8;
	[tilespmem:$0x8100] =	vst v63  }
0x26: {  	_ = 	snop  }
0x27: {  	[hbm4b:s7+s2] =	stream.indirect_vreg.scatter [tilespmem:s15], [sflag:$0x1], $0x80, v4, vm0, $0xb8;
	[tilespmem:$0x8100] =	vst v63  }
0x28: {  	_ = 	snop  }
0x29: {  	[hbm4b:s3+s2] =	stream.indirect_vreg.scatter [tilespmem:s16], [sflag:$0x1], $0x80, v3, vm0, $0xb8;
	[tilespmem:$0x8100] =	vst v63  }
0x2a: {  	_ = 	snop  }
0x2b: {  	[hbm4b:s7+s2] =	stream.indirect_vreg.scatter [tilespmem:s17], [sflag:$0x1], $0x80, v3, vm0, $0xb8;
	[tilespmem:$0x8100] =	vst v63  }
0x2c: {  	v3 =	vld [tilespmem:$0x8010];
	_ =	sdelay $0x4  }
0x2d: {  	v49 =	vshll.u32 v3, $0x2  }
0x2e: {  	v3 =	vand.u32 $0x7, v3;
	v4 =	vand.u32 $0xFFFFFFE0, v49  }
0x2f: {  	v3 =	vor.u32 v3, v4  }
0x30: {  	v4 =	vperm.xlane v3, v0;
	_ =	sdelay $0x1  }
0x31: {  	v4 =	vadd.s32 v1, v4;
	_ =	sdelay $0x1  }
0x32: {  	v3 =	vperm.xlane v3, v2;
	_ =	sdelay $0x1  }
0x33: {  	v3 =	vadd.s32 v1, v3  }
0x34: {  	[hbm4b:s3+s2] =	stream.indirect_vreg.scatter [tilespmem:s18], [sflag:$0x1], $0x80, v4, vm0, $0xb8;
	[tilespmem:$0x8100] =	vst v63  }
0x35: {  	_ = 	snop  }
0x36: {  	[hbm4b:s7+s2] =	stream.indirect_vreg.scatter [tilespmem:s19], [sflag:$0x1], $0x80, v4, vm0, $0xb8;
	[tilespmem:$0x8100] =	vst v63  }
0x37: {  	_ = 	snop  }
0x38: {  	[hbm4b:s3+s2] =	stream.indirect_vreg.scatter [tilespmem:s20], [sflag:$0x1], $0x80, v3, vm0, $0xb8;
	[tilespmem:$0x8100] =	vst v63  }
0x39: {  	_ = 	snop  }
0x3a: {  	[hbm4b:s7+s2] =	stream.indirect_vreg.scatter [tilespmem:s21], [sflag:$0x1], $0x80, v3, vm0, $0xb8;
	[tilespmem:$0x8100] =	vst v63  }
0x3b: {  	v3 =	vld [tilespmem:$0x8020];
	_ =	sdelay $0x4  }
0x3c: {  	v50 =	vshll.u32 v3, $0x2  }
0x3d: {  	v3 =	vand.u32 $0x7, v3;
	v4 =	vand.u32 $0xFFFFFFE0, v50  }
0x3e: {  	v3 =	vor.u32 v3, v4  }
0x3f: {  	v4 =	vperm.xlane v3, v0;
	_ =	sdelay $0x1  }
0x40: {  	v4 =	vadd.s32 v1, v4;
	_ =	sdelay $0x1  }
0x41: {  	v3 =	vperm.xlane v3, v2;
	_ =	sdelay $0x1  }
0x42: {  	v3 =	vadd.s32 v1, v3  }
0x43: {  	[hbm4b:s3+s2] =	stream.indirect_vreg.scatter [tilespmem:s22], [sflag:$0x1], $0x80, v4, vm0, $0xb8;
	[tilespmem:$0x8100] =	vst v63  }
0x44: {  	_ = 	snop  }
0x45: {  	[hbm4b:s7+s2] =	stream.indirect_vreg.scatter [tilespmem:s23], [sflag:$0x1], $0x80, v4, vm0, $0xb8;
	[tilespmem:$0x8100] =	vst v63  }
0x46: {  	_ = 	snop  }
0x47: {  	[hbm4b:s3+s2] =	stream.indirect_vreg.scatter [tilespmem:s24], [sflag:$0x1], $0x80, v3, vm0, $0xb8;
	[tilespmem:$0x8100] =	vst v63  }
0x48: {  	_ = 	snop  }
0x49: {  	[hbm4b:s7+s2] =	stream.indirect_vreg.scatter [tilespmem:s25], [sflag:$0x1], $0x80, v3, vm0, $0xb8;
	[tilespmem:$0x8100] =	vst v63  }
0x4a: {  	v3 =	vld [tilespmem:$0x8030];
	_ =	sdelay $0x4  }
0x4b: {  	v51 =	vshll.u32 v3, $0x2  }
0x4c: {  	v3 =	vand.u32 $0x7, v3;
	v4 =	vand.u32 $0xFFFFFFE0, v51  }
0x4d: {  	v3 =	vor.u32 v3, v4  }
0x4e: {  	v4 =	vperm.xlane v3, v0;
	_ =	sdelay $0x1  }
0x4f: {  	v4 =	vadd.s32 v1, v4;
	_ =	sdelay $0x1  }
0x50: {  	v3 =	vperm.xlane v3, v2;
	_ =	sdelay $0x1  }
0x51: {  	v3 =	vadd.s32 v1, v3  }
0x52: {  	[hbm4b:s3+s2] =	stream.indirect_vreg.scatter [tilespmem:s26], [sflag:$0x1], $0x80, v4, vm0, $0xb8;
	[tilespmem:$0x8100] =	vst v63  }
0x53: {  	_ = 	snop  }
0x54: {  	[hbm4b:s7+s2] =	stream.indirect_vreg.scatter [tilespmem:s28], [sflag:$0x1], $0x80, v4, vm0, $0xb8;
	[tilespmem:$0x8100] =	vst v63  }
0x55: {  	_ = 	snop  }
0x56: {  	[hbm4b:s3+s2] =	stream.indirect_vreg.scatter [tilespmem:s29], [sflag:$0x1], $0x80, v3, vm0, $0xb8;
	[tilespmem:$0x8100] =	vst v63  }
0x57: {  	_ = 	snop  }
0x58: {  	[hbm4b:s7+s2] =	stream.indirect_vreg.scatter [tilespmem:s30], [sflag:$0x1], $0x80, v3, vm0, $0xb8;
	[tilespmem:$0x8100] =	vst v63  }
0x59: {  	v3 =	vld [tilespmem:$0x8080];
	_ =	sdelay $0x4  }
0x5a: {  	v52 =	vshll.u32 v3, $0x2  }
0x5b: {  	v3 =	vand.u32 $0x7, v3;
	v4 =	vand.u32 $0xFFFFFFE0, v52  }
0x5c: {  	v3 =	vor.u32 v3, v4  }
0x5d: {  	v4 =	vperm.xlane v3, v0;
	_ =	sdelay $0x1  }
0x5e: {  	v4 =	vadd.s32 v1, v4;
	_ =	sdelay $0x1  }
0x5f: {  	v3 =	vperm.xlane v3, v2;
	_ =	sdelay $0x1  }
0x60: {  	v3 =	vadd.s32 v1, v3  }
0x61: {  	[hbm4b:s3+s2] =	stream.indirect_vreg.scatter [tilespmem:s2], [sflag:$0x1], $0x80, v4, vm0, $0xb8;
	[tilespmem:$0x8100] =	vst v63  }
0x62: {  	_ = 	snop  }
0x63: {  	[hbm4b:s7+s2] =	stream.indirect_vreg.scatter [tilespmem:s15], [sflag:$0x1], $0x80, v4, vm0, $0xb8;
	[tilespmem:$0x8100] =	vst v63  }
0x64: {  	_ = 	snop  }
0x65: {  	[hbm4b:s3+s2] =	stream.indirect_vreg.scatter [tilespmem:s16], [sflag:$0x1], $0x80, v3, vm0, $0xb8;
	[tilespmem:$0x8100] =	vst v63  }
0x66: {  	_ = 	snop  }
0x67: {  	[hbm4b:s7+s2] =	stream.indirect_vreg.scatter [tilespmem:s17], [sflag:$0x1], $0x80, v3, vm0, $0xb8;
	[tilespmem:$0x8100] =	vst v63  }
0x68: {  	v3 =	vld [tilespmem:$0x8090];
	_ =	sdelay $0x4  }
0x69: {  	v53 =	vshll.u32 v3, $0x2  }
0x6a: {  	v3 =	vand.u32 $0x7, v3;
	v4 =	vand.u32 $0xFFFFFFE0, v53  }
0x6b: {  	v3 =	vor.u32 v3, v4  }
0x6c: {  	v4 =	vperm.xlane v3, v0;
	_ =	sdelay $0x1  }
0x6d: {  	v4 =	vadd.s32 v1, v4;
	_ =	sdelay $0x1  }
0x6e: {  	v3 =	vperm.xlane v3, v2;
	_ =	sdelay $0x1  }
0x6f: {  	v3 =	vadd.s32 v1, v3  }
0x70: {  	[hbm4b:s3+s2] =	stream.indirect_vreg.scatter [tilespmem:s18], [sflag:$0x1], $0x80, v4, vm0, $0xb8;
	[tilespmem:$0x8100] =	vst v63  }
0x71: {  	_ = 	snop  }
0x72: {  	[hbm4b:s7+s2] =	stream.indirect_vreg.scatter [tilespmem:s19], [sflag:$0x1], $0x80, v4, vm0, $0xb8;
	[tilespmem:$0x8100] =	vst v63  }
0x73: {  	_ = 	snop  }
0x74: {  	[hbm4b:s3+s2] =	stream.indirect_vreg.scatter [tilespmem:s20], [sflag:$0x1], $0x80, v3, vm0, $0xb8;
	[tilespmem:$0x8100] =	vst v63  }
0x75: {  	_ = 	snop  }
0x76: {  	[hbm4b:s7+s2] =	stream.indirect_vreg.scatter [tilespmem:s21], [sflag:$0x1], $0x80, v3, vm0, $0xb8;
	[tilespmem:$0x8100] =	vst v63  }
0x77: {  	v3 =	vld [tilespmem:$0x80A0];
	_ =	sdelay $0x4  }
0x78: {  	v54 =	vshll.u32 v3, $0x2  }
0x79: {  	v3 =	vand.u32 $0x7, v3;
	v4 =	vand.u32 $0xFFFFFFE0, v54  }
0x7a: {  	v3 =	vor.u32 v3, v4  }
0x7b: {  	v4 =	vperm.xlane v3, v0;
	_ =	sdelay $0x1  }
0x7c: {  	v4 =	vadd.s32 v1, v4;
	_ =	sdelay $0x1  }
0x7d: {  	v3 =	vperm.xlane v3, v2;
	_ =	sdelay $0x1  }
0x7e: {  	v3 =	vadd.s32 v1, v3  }
0x7f: {  	[hbm4b:s3+s2] =	stream.indirect_vreg.scatter [tilespmem:s22], [sflag:$0x1], $0x80, v4, vm0, $0xb8;
	[tilespmem:$0x8100] =	vst v63  }
0x80: {  	_ = 	snop  }
0x81: {  	[hbm4b:s7+s2] =	stream.indirect_vreg.scatter [tilespmem:s23], [sflag:$0x1], $0x80, v4, vm0, $0xb8;
	[tilespmem:$0x8100] =	vst v63  }
0x82: {  	_ = 	snop  }
0x83: {  	[hbm4b:s3+s2] =	stream.indirect_vreg.scatter [tilespmem:s24], [sflag:$0x1], $0x80, v3, vm0, $0xb8;
	[tilespmem:$0x8100] =	vst v63  }
0x84: {  	_ = 	snop  }
0x85: {  	[hbm4b:s7+s2] =	stream.indirect_vreg.scatter [tilespmem:s25], [sflag:$0x1], $0x80, v3, vm0, $0xb8;
	[tilespmem:$0x8100] =	vst v63  }
0x86: {  	v3 =	vld [tilespmem:$0x80B0];
	_ =	sdelay $0x4  }
0x87: {  	v55 =	vshll.u32 v3, $0x2  }
0x88: {  	v3 =	vand.u32 $0x7, v3;
	v4 =	vand.u32 $0xFFFFFFE0, v55  }
0x89: {  	v3 =	vor.u32 v3, v4  }
0x8a: {  	v4 =	vperm.xlane v3, v0;
	_ =	sdelay $0x1  }
0x8b: {  	v4 =	vadd.s32 v1, v4;
	_ =	sdelay $0x1  }
0x8c: {  	v3 =	vperm.xlane v3, v2;
	_ =	sdelay $0x1  }
0x8d: {  	v3 =	vadd.s32 v1, v3  }
0x8e: {  	[hbm4b:s3+s2] =	stream.indirect_vreg.scatter [tilespmem:s26], [sflag:$0x1], $0x80, v4, vm0, $0xb8;
	[tilespmem:$0x8100] =	vst v63  }
0x8f: {  	_ = 	snop  }
0x90: {  	[hbm4b:s7+s2] =	stream.indirect_vreg.scatter [tilespmem:s28], [sflag:$0x1], $0x80, v4, vm0, $0xb8;
	[tilespmem:$0x8100] =	vst v63  }
0x91: {  	_ = 	snop  }
0x92: {  	[hbm4b:s3+s2] =	stream.indirect_vreg.scatter [tilespmem:s29], [sflag:$0x1], $0x80, v3, vm0, $0xb8;
	[tilespmem:$0x8100] =	vst v63  }
0x93: {  	_ = 	snop  }
0x94: {  	[hbm4b:s7+s2] =	stream.indirect_vreg.scatter [tilespmem:s30], [sflag:$0x1], $0x80, v3, vm0, $0xb8;
	[tilespmem:$0x8100] =	vst v63  }
0x95: {  	_ =	swait.ge [sflag:s31], $0x8000  }
0x96: {  	[sflag:s31] =	ssyncset.done $0x0  }
0x97: {  	[sflag:s31] =	ssyncadd.s32 $0xFFFF8000  }
0x98: {  	_ =	swait.ge [sflag:s31], $0x8000  }
0x99: {  	[sflag:s31] =	ssyncset.done $0x0  }
0x9a: {  	[sflag:s31] =	ssyncadd.s32 $0xFFFF8000  }
0x9b: {  	[tilespmem:s2], [sflag:$0x2] =	stream.linear.gather [hbm4b:s8+s2], $0x8000, $0x38;
	[tilespmem:$0x8100] =	vst v63  }
0x9c: {  	_ =	swait.ge [sflag:s12], $0x8000  }
0x9d: {  	[sflag:s12] =	ssyncset.done $0x0  }
0x9e: {  	[sflag:s12] =	ssyncadd.s32 $0xFFFF8000  }
0x9f: {  	[tilespmem:s13], [sflag:$0x2] =	stream.linear.gather [hbm4b:s9+s2], $0x80, $0x38;
	[tilespmem:$0x8100] =	vst v63  }
0xa0: {  	_ =	swait.ge [sflag:s12], $0x80  }
0xa1: {  	[sflag:s12] =	ssyncset.done $0x0  }
0xa2: {  	[sflag:s12] =	ssyncadd.s32 $0xFFFFFF80  }
0xa3: {  	[tilespmem:s14], [sflag:$0x2] =	stream.linear.gather [hbm4b:s10+s2], $0x80, $0x38;
	[tilespmem:$0x8100] =	vst v63  }
0xa4: {  	_ =	swait.ge [sflag:s12], $0x80  }
0xa5: {  	[sflag:s12] =	ssyncset.done $0x0  }
0xa6: {  	[sflag:s12] =	ssyncadd.s32 $0xFFFFFF80  }
0xa7: {  	v3 =	vld [tilespmem:$0x8000];
	_ =	sdelay $0x4  }
0xa8: {  	v56 =	vshll.u32 v3, $0x2  }
0xa9: {  	v3 =	vand.u32 $0x7, v3;
	v4 =	vand.u32 $0xFFFFFFE0, v56  }
0xaa: {  	v3 =	vor.u32 v3, v4  }
0xab: {  	v4 =	vperm.xlane v3, v0;
	_ =	sdelay $0x1  }
0xac: {  	v4 =	vadd.s32 v1, v4;
	_ =	sdelay $0x1  }
0xad: {  	v3 =	vperm.xlane v3, v2;
	_ =	sdelay $0x1  }
0xae: {  	v3 =	vadd.s32 v1, v3  }
0xaf: {  	[hbm4b:s3+s2] =	stream.indirect_vreg.scatter [tilespmem:s2], [sflag:$0x1], $0x80, v4, vm0, $0xb8;
	[tilespmem:$0x8100] =	vst v63  }
0xb0: {  	_ = 	snop  }
0xb1: {  	[hbm4b:s7+s2] =	stream.indirect_vreg.scatter [tilespmem:s15], [sflag:$0x1], $0x80, v4, vm0, $0xb8;
	[tilespmem:$0x8100] =	vst v63  }
0xb2: {  	_ = 	snop  }
0xb3: {  	[hbm4b:s3+s2] =	stream.indirect_vreg.scatter [tilespmem:s16], [sflag:$0x1], $0x80, v3, vm0, $0xb8;
	[tilespmem:$0x8100] =	vst v63  }
0xb4: {  	_ = 	snop  }
0xb5: {  	[hbm4b:s7+s2] =	stream.indirect_vreg.scatter [tilespmem:s17], [sflag:$0x1], $0x80, v3, vm0, $0xb8;
	[tilespmem:$0x8100] =	vst v63  }
0xb6: {  	v3 =	vld [tilespmem:$0x8010];
	_ =	sdelay $0x4  }
0xb7: {  	v57 =	vshll.u32 v3, $0x2  }
0xb8: {  	v3 =	vand.u32 $0x7, v3;
	v4 =	vand.u32 $0xFFFFFFE0, v57  }
0xb9: {  	v3 =	vor.u32 v3, v4  }
0xba: {  	v4 =	vperm.xlane v3, v0;
	_ =	sdelay $0x1  }
0xbb: {  	v4 =	vadd.s32 v1, v4;
	_ =	sdelay $0x1  }
0xbc: {  	v3 =	vperm.xlane v3, v2;
	_ =	sdelay $0x1  }
0xbd: {  	v3 =	vadd.s32 v1, v3  }
0xbe: {  	[hbm4b:s3+s2] =	stream.indirect_vreg.scatter [tilespmem:s18], [sflag:$0x1], $0x80, v4, vm0, $0xb8;
	[tilespmem:$0x8100] =	vst v63  }
0xbf: {  	_ = 	snop  }
0xc0: {  	[hbm4b:s7+s2] =	stream.indirect_vreg.scatter [tilespmem:s19], [sflag:$0x1], $0x80, v4, vm0, $0xb8;
	[tilespmem:$0x8100] =	vst v63  }
0xc1: {  	_ = 	snop  }
0xc2: {  	[hbm4b:s3+s2] =	stream.indirect_vreg.scatter [tilespmem:s20], [sflag:$0x1], $0x80, v3, vm0, $0xb8;
	[tilespmem:$0x8100] =	vst v63  }
0xc3: {  	_ = 	snop  }
0xc4: {  	[hbm4b:s7+s2] =	stream.indirect_vreg.scatter [tilespmem:s21], [sflag:$0x1], $0x80, v3, vm0, $0xb8;
	[tilespmem:$0x8100] =	vst v63  }
0xc5: {  	v3 =	vld [tilespmem:$0x8020];
	_ =	sdelay $0x4  }
0xc6: {  	v58 =	vshll.u32 v3, $0x2  }
0xc7: {  	v3 =	vand.u32 $0x7, v3;
	v4 =	vand.u32 $0xFFFFFFE0, v58  }
0xc8: {  	v3 =	vor.u32 v3, v4  }
0xc9: {  	v4 =	vperm.xlane v3, v0;
	_ =	sdelay $0x1  }
0xca: {  	v4 =	vadd.s32 v1, v4;
	_ =	sdelay $0x1  }
0xcb: {  	v3 =	vperm.xlane v3, v2;
	_ =	sdelay $0x1  }
0xcc: {  	v3 =	vadd.s32 v1, v3  }
0xcd: {  	[hbm4b:s3+s2] =	stream.indirect_vreg.scatter [tilespmem:s22], [sflag:$0x1], $0x80, v4, vm0, $0xb8;
	[tilespmem:$0x8100] =	vst v63  }
0xce: {  	_ = 	snop  }
0xcf: {  	[hbm4b:s7+s2] =	stream.indirect_vreg.scatter [tilespmem:s23], [sflag:$0x1], $0x80, v4, vm0, $0xb8;
	[tilespmem:$0x8100] =	vst v63  }
0xd0: {  	_ = 	snop  }
0xd1: {  	[hbm4b:s3+s2] =	stream.indirect_vreg.scatter [tilespmem:s24], [sflag:$0x1], $0x80, v3, vm0, $0xb8;
	[tilespmem:$0x8100] =	vst v63  }
0xd2: {  	_ = 	snop  }
0xd3: {  	[hbm4b:s7+s2] =	stream.indirect_vreg.scatter [tilespmem:s25], [sflag:$0x1], $0x80, v3, vm0, $0xb8;
	[tilespmem:$0x8100] =	vst v63  }
0xd4: {  	v3 =	vld [tilespmem:$0x8030];
	_ =	sdelay $0x4  }
0xd5: {  	v59 =	vshll.u32 v3, $0x2  }
0xd6: {  	v3 =	vand.u32 $0x7, v3;
	v4 =	vand.u32 $0xFFFFFFE0, v59  }
0xd7: {  	v3 =	vor.u32 v3, v4  }
0xd8: {  	v4 =	vperm.xlane v3, v0;
	_ =	sdelay $0x1  }
0xd9: {  	v4 =	vadd.s32 v1, v4;
	_ =	sdelay $0x1  }
0xda: {  	v3 =	vperm.xlane v3, v2;
	_ =	sdelay $0x1  }
0xdb: {  	v3 =	vadd.s32 v1, v3  }
0xdc: {  	[hbm4b:s3+s2] =	stream.indirect_vreg.scatter [tilespmem:s26], [sflag:$0x1], $0x80, v4, vm0, $0xb8;
	[tilespmem:$0x8100] =	vst v63  }
0xdd: {  	_ = 	snop  }
0xde: {  	[hbm4b:s7+s2] =	stream.indirect_vreg.scatter [tilespmem:s28], [sflag:$0x1], $0x80, v4, vm0, $0xb8;
	[tilespmem:$0x8100] =	vst v63  }
0xdf: {  	_ = 	snop  }
0xe0: {  	[hbm4b:s3+s2] =	stream.indirect_vreg.scatter [tilespmem:s29], [sflag:$0x1], $0x80, v3, vm0, $0xb8;
	[tilespmem:$0x8100] =	vst v63  }
0xe1: {  	_ = 	snop  }
0xe2: {  	[hbm4b:s7+s2] =	stream.indirect_vreg.scatter [tilespmem:s30], [sflag:$0x1], $0x80, v3, vm0, $0xb8;
	[tilespmem:$0x8100] =	vst v63  }
0xe3: {  	v3 =	vld [tilespmem:$0x8080];
	_ =	sdelay $0x4  }
0xe4: {  	v60 =	vshll.u32 v3, $0x2  }
0xe5: {  	v3 =	vand.u32 $0x7, v3;
	v4 =	vand.u32 $0xFFFFFFE0, v60  }
0xe6: {  	v3 =	vor.u32 v3, v4  }
0xe7: {  	v4 =	vperm.xlane v3, v0;
	_ =	sdelay $0x1  }
0xe8: {  	v4 =	vadd.s32 v1, v4;
	_ =	sdelay $0x1  }
0xe9: {  	v3 =	vperm.xlane v3, v2;
	_ =	sdelay $0x1  }
0xea: {  	v3 =	vadd.s32 v1, v3  }
0xeb: {  	[hbm4b:s3+s2] =	stream.indirect_vreg.scatter [tilespmem:s2], [sflag:$0x1], $0x80, v4, vm0, $0xb8;
	[tilespmem:$0x8100] =	vst v63  }
0xec: {  	_ = 	snop  }
0xed: {  	[hbm4b:s7+s2] =	stream.indirect_vreg.scatter [tilespmem:s15], [sflag:$0x1], $0x80, v4, vm0, $0xb8;
	[tilespmem:$0x8100] =	vst v63  }
0xee: {  	_ = 	snop  }
0xef: {  	[hbm4b:s3+s2] =	stream.indirect_vreg.scatter [tilespmem:s16], [sflag:$0x1], $0x80, v3, vm0, $0xb8;
	[tilespmem:$0x8100] =	vst v63  }
0xf0: {  	_ = 	snop  }
0xf1: {  	[hbm4b:s7+s2] =	stream.indirect_vreg.scatter [tilespmem:s17], [sflag:$0x1], $0x80, v3, vm0, $0xb8;
	[tilespmem:$0x8100] =	vst v63  }
0xf2: {  	v3 =	vld [tilespmem:$0x8090];
	_ =	sdelay $0x4  }
0xf3: {  	v61 =	vshll.u32 v3, $0x2  }
0xf4: {  	v3 =	vand.u32 $0x7, v3;
	v4 =	vand.u32 $0xFFFFFFE0, v61  }
0xf5: {  	v3 =	vor.u32 v3, v4  }
0xf6: {  	v4 =	vperm.xlane v3, v0;
	_ =	sdelay $0x1  }
0xf7: {  	v4 =	vadd.s32 v1, v4;
	_ =	sdelay $0x1  }
0xf8: {  	v3 =	vperm.xlane v3, v2;
	_ =	sdelay $0x1  }
0xf9: {  	v3 =	vadd.s32 v1, v3  }
0xfa: {  	[hbm4b:s3+s2] =	stream.indirect_vreg.scatter [tilespmem:s18], [sflag:$0x1], $0x80, v4, vm0, $0xb8;
	[tilespmem:$0x8100] =	vst v63  }
0xfb: {  	_ = 	snop  }
0xfc: {  	[hbm4b:s7+s2] =	stream.indirect_vreg.scatter [tilespmem:s19], [sflag:$0x1], $0x80, v4, vm0, $0xb8;
	[tilespmem:$0x8100] =	vst v63  }
0xfd: {  	_ = 	snop  }
0xfe: {  	[hbm4b:s3+s2] =	stream.indirect_vreg.scatter [tilespmem:s20], [sflag:$0x1], $0x80, v3, vm0, $0xb8;
	[tilespmem:$0x8100] =	vst v63  }
0xff: {  	_ = 	snop  }
0x100: {  	[hbm4b:s7+s2] =	stream.indirect_vreg.scatter [tilespmem:s21], [sflag:$0x1], $0x80, v3, vm0, $0xb8;
	[tilespmem:$0x8100] =	vst v63  }
0x101: {  	v3 =	vld [tilespmem:$0x80A0];
	_ =	sdelay $0x4  }
0x102: {  	v62 =	vshll.u32 v3, $0x2  }
0x103: {  	v3 =	vand.u32 $0x7, v3;
	v4 =	vand.u32 $0xFFFFFFE0, v62  }
0x104: {  	v3 =	vor.u32 v3, v4  }
0x105: {  	v4 =	vperm.xlane v3, v0;
	_ =	sdelay $0x1  }
0x106: {  	v4 =	vadd.s32 v1, v4;
	_ =	sdelay $0x1  }
0x107: {  	v3 =	vperm.xlane v3, v2;
	_ =	sdelay $0x1  }
0x108: {  	v3 =	vadd.s32 v1, v3  }
0x109: {  	[hbm4b:s3+s2] =	stream.indirect_vreg.scatter [tilespmem:s22], [sflag:$0x1], $0x80, v4, vm0, $0xb8;
	[tilespmem:$0x8100] =	vst v63  }
0x10a: {  	_ = 	snop  }
0x10b: {  	[hbm4b:s7+s2] =	stream.indirect_vreg.scatter [tilespmem:s23], [sflag:$0x1], $0x80, v4, vm0, $0xb8;
	[tilespmem:$0x8100] =	vst v63  }
0x10c: {  	_ = 	snop  }
0x10d: {  	[hbm4b:s3+s2] =	stream.indirect_vreg.scatter [tilespmem:s24], [sflag:$0x1], $0x80, v3, vm0, $0xb8;
	[tilespmem:$0x8100] =	vst v63  }
0x10e: {  	_ = 	snop  }
0x10f: {  	[hbm4b:s7+s2] =	stream.indirect_vreg.scatter [tilespmem:s25], [sflag:$0x1], $0x80, v3, vm0, $0xb8;
	[tilespmem:$0x8100] =	vst v63  }
0x110: {  	v3 =	vld [tilespmem:$0x80B0];
	_ =	sdelay $0x4  }
0x111: {  	v63 =	vshll.u32 v3, $0x2  }
0x112: {  	v3 =	vand.u32 $0x7, v3;
	v4 =	vand.u32 $0xFFFFFFE0, v63  }
0x113: {  	v3 =	vor.u32 v3, v4  }
0x114: {  	v4 =	vperm.xlane v3, v0;
	_ =	sdelay $0x1  }
0x115: {  	v4 =	vadd.s32 v1, v4;
	_ =	sdelay $0x1  }
0x116: {  	v3 =	vperm.xlane v3, v2;
	_ =	sdelay $0x1  }
0x117: {  	v3 =	vadd.s32 v1, v3  }
0x118: {  	[hbm4b:s3+s2] =	stream.indirect_vreg.scatter [tilespmem:s26], [sflag:$0x1], $0x80, v4, vm0, $0xb8;
	[tilespmem:$0x8100] =	vst v63  }
0x119: {  	_ = 	snop  }
0x11a: {  	[hbm4b:s7+s2] =	stream.indirect_vreg.scatter [tilespmem:s28], [sflag:$0x1], $0x80, v4, vm0, $0xb8;
	[tilespmem:$0x8100] =	vst v63  }
0x11b: {  	_ = 	snop  }
0x11c: {  	[hbm4b:s3+s2] =	stream.indirect_vreg.scatter [tilespmem:s29], [sflag:$0x1], $0x80, v3, vm0, $0xb8;
	[tilespmem:$0x8100] =	vst v63  }
0x11d: {  	_ = 	snop  }
0x11e: {  	[hbm4b:s7+s2] =	stream.indirect_vreg.scatter [tilespmem:s30], [sflag:$0x1], $0x80, v3, vm0, $0xb8;
	[tilespmem:$0x8100] =	vst v63  }
0x11f: {  	p0 =	sne.s32 s11, $0x1;
	_ =	swait.ge [sflag:s31], $0x8000  }
.Ltmp0:
0x120: {  	[sflag:s31] =	ssyncset.done $0x0;
	(pc) =	sbr.rel @p0 .LBB2_1-.Ltmp0, $4  }
0x121: {  	[sflag:s31] =	ssyncadd.s32 $0xFFFF8000  }
0x122: {  	_ =	swait.ge [sflag:s31], $0x8000  }
0x123: {  	[sflag:s31] =	ssyncset.done $0x0  }
0x124: {  	s11 =	sadd.s32 $0xFFFFFFFF, s11;
	[sflag:s31] =	ssyncadd.s32 $0xFFFF8000  }
0x125: {  	_ =	sfence.sel $0x180000  }
0x126: {  	[bflag:$0x0] =	sbarrier.arrive $0xFFFF  }
0x127: {  	p0 =	sne.s32 s0, $0x0;
	_ =	strace $0x90000047  }
0x128: {  	s0 =	sadd.s32 @!p0 $0x100000, s1;
	[bflag:$0x2] =	sbarrier.arrive $0xFFFF  }
0x129: {  	[sflag:s0] =	ssyncadd.tile.s32 @!p0 $0x1;
	_ =	shalt  }
.Lfunc_end2:
_tile_overlayer_lowered:
.L_overlay_start_2:
0x12a: {  	(tag) =	ssettag $0x2  }
0x12b: {  	s0 =	rddreg [dreg:$0x0];
	s2 =	stileid.u32  }
0x12c: {  	s1 =	rddreg [dreg:$0x1];
	p0 =	sne.s32 s2, $0x0  }
0x12d: {  	s3 =	rddreg [dreg:$0x2];
	[bflag:$0x3] =	sbarrier.arrive $0xFFFF;
	s2 =	simm.s32 @!p0 $0x1C02  }
0x12e: {  	[timem:s3], [sflag:s2] =	dma.local @!p0 [hbm:s0], s1  }
0x12f: {  	s0 =	simm.s32 @!p0 $0x2  }
0x130: {  	_ =	swait.ge @!p0 [sflag:s0], s1  }
0x131: {  	s1 =	ssub.s32 @!p0 $0x0, s1;
	[sflag:s0] =	ssyncset.done @!p0 $0x0  }
0x132: {  	[sflag:s0] =	ssyncadd.s32 @!p0 s1  }
0x133: {  	[bflag:$0x3] =	sbarrier.arrive $0xFFFF  }
0x134: {  	_ =	shalt  }

</sc_bundles>
